<compile_context>
chip_gen: v7x
topology: tpu7x:2x2x1
jax: 0.10.2.dev20260603
libtpu: 0.0.44.dev20260713+nightly
codegen_flags: <defaults>
</compile_context>

<pallas_src>
import functools

import numpy as np

import jax
import jax.numpy as jnp
from jax import lax
from jax.experimental import pallas as pl
from jax.experimental.pallas import tpu as pltpu
from jax.experimental.pallas import tpu_sc as plsc

D = 64
M = 1_000_000
CHUNK = 400
GROUP = 8
NW = 32
TBLK = 25600
TC_GRID = 39
TC_ROWS = TBLK * TC_GRID
NSC = (M - TC_ROWS) // CHUNK
SC_CH0 = TC_ROWS // CHUNK
BASE_CH = NSC // NW
EXTRA = NSC - BASE_CH * NW
NEG = -1e30
INV_T = 10.0
THRESH = 0.9



def _sc_partials(q_hbm, qc_hbm, mem_hbm, card_hbm, used_hbm, out_hbm,
                 q_v, qc_v, rows2, card2, used2, part_v, sems):
    w = lax.axis_index("s") * 2 + lax.axis_index("c")
    pltpu.sync_copy(q_hbm, q_v)
    pltpu.sync_copy(qc_hbm, qc_v)
    q0 = q_v[pl.ds(0, 16)]
    q1 = q_v[pl.ds(16, 16)]
    q2 = q_v[pl.ds(32, 16)]
    q3 = q_v[pl.ds(48, 16)]
    qc_vec = qc_v[pl.ds(0, 16)]
    ioti = lax.iota(jnp.int32, 16)
    ohm = [ioti == i for i in range(GROUP)]

    base = SC_CH0 + w * BASE_CH + jnp.minimum(w, EXTRA)
    n = BASE_CH + jnp.where(w < EXTRA, 1, 0)

    def issue(slot, c):
        r0 = c * CHUNK
        pltpu.async_copy(mem_hbm.at[pl.ds(r0, CHUNK), :], rows2.at[slot],
                         sems.at[slot, 0])
        pltpu.async_copy(card_hbm.at[pl.ds(r0, CHUNK)],
                         card2.at[pl.ds(slot * CHUNK, CHUNK)], sems.at[slot, 1])
        pltpu.async_copy(used_hbm.at[pl.ds(r0, CHUNK)],
                         used2.at[pl.ds(slot * CHUNK, CHUNK)], sems.at[slot, 2])

    def wait(slot, c):
        r0 = c * CHUNK
        pltpu.make_async_copy(mem_hbm.at[pl.ds(r0, CHUNK), :], rows2.at[slot],
                              sems.at[slot, 0]).wait()
        pltpu.make_async_copy(card_hbm.at[pl.ds(r0, CHUNK)],
                              card2.at[pl.ds(slot * CHUNK, CHUNK)],
                              sems.at[slot, 1]).wait()
        pltpu.make_async_copy(used_hbm.at[pl.ds(r0, CHUNK)],
                              used2.at[pl.ds(slot * CHUNK, CHUNK)],
                              sems.at[slot, 2]).wait()

    @pl.when(n > 0)
    def _():
        issue(0, base)

    def chunk_body(i, carry):
        slot = lax.rem(i, 2)
        c = base + i

        @pl.when(i + 1 < n)
        def _():
            issue(1 - slot, c + 1)

        wait(slot, c)

        @plsc.parallel_loop(0, CHUNK // GROUP, carry=carry)
        def group_loop(g, rc):
            m, d_vec, a0, a1, a2, a3 = rc
            gbase = g * GROUP
            cvec = card2[pl.ds(slot * CHUNK + gbase, 16)]
            uvec = used2[pl.ds(slot * CHUNK + gbase, 16)]
            vmaskf = jnp.where(
                (jnp.abs(qc_vec - cvec) <= 1.0) & (uvec > 0.5),
                jnp.float32(1.0), jnp.float32(0.0))
            rows = []
            svals = []
            for i_r in range(GROUP):
                row = gbase + i_r
                r0 = rows2[slot, row, pl.ds(0, 16)]
                r1 = rows2[slot, row, pl.ds(16, 16)]
                r2 = rows2[slot, row, pl.ds(32, 16)]
                r3 = rows2[slot, row, pl.ds(48, 16)]
                rows.append((r0, r1, r2, r3))
                p = (r0 * q0 + r1 * q1) + (r2 * q2 + r3 * q3)
                svals.append(jnp.sum(p))
            sims = jnp.where(ohm[0], svals[0], jnp.float32(0.0))
            for i_r in range(1, GROUP):
                sims = jnp.where(ohm[i_r], svals[i_r], sims)
            validf = jnp.where(sims >= THRESH, vmaskf, jnp.float32(0.0))
            sv = jnp.where(validf > 0.5, sims * INV_T, jnp.float32(NEG))
            new_m = jnp.maximum(m, jnp.max(sv))
            scale = jnp.exp(jnp.full((16,), m - new_m, jnp.float32))
            w_vec = jnp.exp(sv - new_m) * validf
            d_vec = d_vec * scale + w_vec
            a0 = a0 * scale
            a1 = a1 * scale
            a2 = a2 * scale
            a3 = a3 * scale
            for i_r in range(GROUP):
                wi = w_vec[i_r]
                r0, r1, r2, r3 = rows[i_r]
                a0 = a0 + wi * r0
                a1 = a1 + wi * r1
                a2 = a2 + wi * r2
                a3 = a3 + wi * r3
            return (new_m, d_vec, a0, a1, a2, a3)

        return group_loop

    z = jnp.zeros((16,), jnp.float32)
    init = (jnp.float32(NEG), z, z, z, z, z)
    m, d_vec, a0, a1, a2, a3 = lax.fori_loop(0, n, chunk_body, init)

    part_v[pl.ds(0, 16)] = a0
    part_v[pl.ds(16, 16)] = a1
    part_v[pl.ds(32, 16)] = a2
    part_v[pl.ds(48, 16)] = a3
    part_v[pl.ds(64, 16)] = d_vec
    part_v[pl.ds(80, 16)] = jnp.full((16,), m, jnp.float32)
    pltpu.sync_copy(part_v, out_hbm.at[w])


_sc_call = functools.partial(
    pl.kernel,
    out_type=jax.ShapeDtypeStruct((NW, 96), jnp.float32),
    mesh=plsc.VectorSubcoreMesh(core_axis_name="c", subcore_axis_name="s"),
    compiler_params=pltpu.CompilerParams(needs_layout_passes=False),
    scratch_types=[
        pltpu.VMEM((D,), jnp.float32),
        pltpu.VMEM((16,), jnp.float32),
        pltpu.VMEM((2, CHUNK, D), jnp.float32),
        pltpu.VMEM((2 * CHUNK + 16,), jnp.float32),
        pltpu.VMEM((2 * CHUNK + 16,), jnp.float32),
        pltpu.VMEM((96,), jnp.float32),
        pltpu.SemaphoreType.DMA((2, 3)),
    ],
)(_sc_partials)


def _tc_body(q_ref, qc_ref, mem_ref, card_ref, used_ref, out_ref):
    qv = q_ref[...]
    mem = mem_ref[...]
    sims = lax.dot_general(qv, mem, (((1,), (1,)), ((), ())))
    s2 = sims.reshape(TBLK // 128, 128)
    qc = qc_ref[...]
    validb = ((s2 >= THRESH)
              & (jnp.abs(qc - card_ref[0]) <= 1.0)
              & (used_ref[0] > 0.5))
    sv = jnp.where(validb, s2 * INV_T, jnp.float32(NEG))
    m_b = jnp.max(sv, axis=(0, 1), keepdims=True)
    w2 = jnp.where(validb, jnp.exp(sv - m_b), jnp.float32(0.0))
    d_b = jnp.sum(w2, axis=(0, 1), keepdims=True)
    wmat = w2.reshape(1, TBLK)
    acc_b = lax.dot_general(wmat, mem, (((1,), (0,)), ((), ())))
    lane = lax.broadcasted_iota(jnp.int32, (1, 16), 1)
    dvec = jnp.where(lane == 0, d_b, jnp.float32(0.0))
    mvec = jnp.broadcast_to(m_b, (1, 16))
    out_ref[0] = jnp.concatenate([acc_b, dvec, mvec], axis=1)


_tc_call = pl.pallas_call(
    _tc_body,
    grid=(TC_GRID,),
    in_specs=[
        pl.BlockSpec((1, D), lambda i: (0, 0)),
        pl.BlockSpec((1, 1), lambda i: (0, 0)),
        pl.BlockSpec((TBLK, D), lambda i: (i, 0)),
        pl.BlockSpec((1, TBLK // 128, 128), lambda i: (i, 0, 0)),
        pl.BlockSpec((1, TBLK // 128, 128), lambda i: (i, 0, 0)),
    ],
    out_specs=pl.BlockSpec((1, 1, 96), lambda i: (i, 0, 0)),
    out_shape=jax.ShapeDtypeStruct((TC_GRID, 1, 96), jnp.float32),
)


def _combine_body(p_ref, o_ref):
    p = p_ref[...]
    acc = p[:, :D]
    d_w = jnp.sum(p[:, D:D + 16], axis=1)
    m_w = p[:, D + 16]
    mx = jnp.max(m_w)
    scale = jnp.exp(m_w - mx)
    denom = jnp.sum(d_w * scale)
    num = jnp.sum(acc * scale[:, None], axis=0)
    out = jnp.where(denom > 0, num / jnp.where(denom > 0, denom, 1.0), 0.0)
    o_ref[...] = out.reshape(1, D)


_combine_call = pl.pallas_call(
    _combine_body,
    out_shape=jax.ShapeDtypeStruct((1, D), jnp.float32),
)


@jax.jit
def kernel(query_embedding, query_cardinality, memory_embeddings,
           memory_cardinalities, memory_used):
    q = query_embedding.reshape(D)
    qc = jnp.broadcast_to(query_cardinality.reshape(1), (16,))
    used_f = memory_used.astype(jnp.float32)
    sc_parts = _sc_call(q, qc, memory_embeddings, memory_cardinalities,
                        used_f)
    tc_part = _tc_call(query_embedding,
                       query_cardinality.reshape(1, 1),
                       memory_embeddings,
                       memory_cardinalities[:TC_ROWS].reshape(
                           TC_GRID, TBLK // 128, 128),
                       used_f[:TC_ROWS].reshape(TC_GRID, TBLK // 128, 128))
    parts = jnp.concatenate([sc_parts, tc_part.reshape(TC_GRID, 96)], axis=0)
    return _combine_call(parts)

# --- scband reference (transcript-rebuilt; emitter-appended) ---
"""Pipeline reference for scband-query-memory-bank-62397284876817 (READ-ONLY COPY).

The authoritative reference and input builder live on the scoring server;
editing this copy changes nothing except your own understanding.
"""

import jax, jax.numpy as jnp
import numpy as np

EMBEDDING_DIM = 64
MEMORY_SIZE = 1000000
TEMPERATURE = 0.1
SIMILARITY_THRESHOLD = 0.9


def setup_inputs(seed: int = 0) -> dict:
    key = jax.random.key(seed)
    k1, k2, k3, k4 = jax.random.split(key, 4)
    return {
        "query_embedding": jax.random.normal(k1, (1, EMBEDDING_DIM), dtype=jnp.float32),
        "query_cardinality": jax.random.normal(k2, (1,), dtype=jnp.float32),
        "memory_embeddings": jax.random.normal(k3, (MEMORY_SIZE, EMBEDDING_DIM), dtype=jnp.float32),
        "memory_cardinalities": jax.random.normal(k4, (MEMORY_SIZE,), dtype=jnp.float32),
        "memory_used": jnp.ones((MEMORY_SIZE,), dtype=bool),
    }


def reference(query_embedding, query_cardinality, memory_embeddings, memory_cardinalities, memory_used):
    # similarities = query @ used_embeddings.T ; with memory_used handled as a mask
    sims = jnp.matmul(query_embedding, memory_embeddings.T).reshape(-1)  # [M]
    qc = query_cardinality.reshape(())  # numel == 1, no mean needed
    card_diff = jnp.abs(qc - memory_cardinalities)  # [M]
    similarity_mask = sims >= SIMILARITY_THRESHOLD
    cardinality_mask = card_diff <= 1.0
    valid = memory_used & similarity_mask & cardinality_mask
    any_valid = jnp.any(valid)
    # softmax(valid_similarities / T) over valid entries only, implemented densely
    scaled = sims / TEMPERATURE
    masked = jnp.where(valid, scaled, -jnp.inf)
    m = jnp.max(masked)
    m_safe = jnp.where(jnp.isfinite(m), m, 0.0)
    scaled_valid = jnp.where(valid, scaled, m_safe)
    w = jnp.where(valid, jnp.exp(scaled_valid - m_safe), 0.0)
    denom = jnp.sum(w)
    attn = w / jnp.where(denom > 0, denom, 1.0)
    retrieved = jnp.sum(attn[:, None] * memory_embeddings, axis=0, keepdims=True)  # [1, D]
    return jnp.where(any_valid, retrieved, jnp.zeros_like(query_embedding))

if __name__ == "__main__":
    import jax
    _d = setup_inputs()
    print(jax.jit(kernel)(*tuple(_d.values())))

</pallas_src>

<mosaic_0001>
#map = affine_map<(d0, d1) -> (0)>
#map1 = affine_map<(d0, d1) -> (0, 0)>
module attributes {stable_mosaic.version = 14 : i64} {
  func.func @_sc_partials(%arg0: i32, %arg1: i32, %arg2: memref<64xf32, #tpu.memory_space<hbm>>, %arg3: memref<16xf32, #tpu.memory_space<hbm>>, %arg4: memref<1000000x64xf32, #tpu.memory_space<hbm>>, %arg5: memref<1000000xf32, #tpu.memory_space<hbm>>, %arg6: memref<1000000xf32, #tpu.memory_space<hbm>>, %arg7: memref<32x96xf32, #tpu.memory_space<hbm>>, %arg8: memref<64xf32, #tpu.memory_space<vmem>>, %arg9: memref<16xf32, #tpu.memory_space<vmem>>, %arg10: memref<2x400x64xf32, #tpu.memory_space<vmem>>, %arg11: memref<816xf32, #tpu.memory_space<vmem>>, %arg12: memref<816xf32, #tpu.memory_space<vmem>>, %arg13: memref<96xf32, #tpu.memory_space<vmem>>, %arg14: memref<2x3x!tpu.dma_semaphore, #tpu.memory_space<semaphore_mem>>) attributes {dimension_semantics = [#tpu.dimension_semantics<core_parallel>, #tpu.dimension_semantics<subcore_parallel>], iteration_bounds = array<i64: 2, 16>, scalar_prefetch = 0 : i64, scratch_operands = 7 : i64, tpu.core_type = #tpu.core_type<sc_vector_subcore>, window_params = [{transform_indices = #map}, {transform_indices = #map}, {transform_indices = #map1}, {transform_indices = #map}, {transform_indices = #map}, {transform_indices = #map1}]} {
    %mul3A = arith.constant 2 : i32
    %mul3A_0 = arith.muli %arg1, %mul3A : i32
    %add3A = arith.addi %mul3A_0, %arg0 : i32
    "tpu.region"() ({
      %run_scoped3A = tpu.sem_alloc : memref<!tpu.dma_semaphore, #tpu.memory_space<semaphore_mem>>
      tpu.enqueue_dma source(%arg2 : memref<64xf32, #tpu.memory_space<hbm>>) target(%arg8 : memref<64xf32, #tpu.memory_space<vmem>>) target_semaphore(%run_scoped3A : memref<!tpu.dma_semaphore, #tpu.memory_space<semaphore_mem>>)
      tpu.wait_dma2 semaphore(%run_scoped3A : memref<!tpu.dma_semaphore, #tpu.memory_space<semaphore_mem>>) src(%arg2 : memref<64xf32, #tpu.memory_space<hbm>>) dst(%arg8 : memref<64xf32, #tpu.memory_space<vmem>>)
      tpu.yield
    }) : () -> ()
    "tpu.region"() ({
      %run_scoped3A = tpu.sem_alloc : memref<!tpu.dma_semaphore, #tpu.memory_space<semaphore_mem>>
      tpu.enqueue_dma source(%arg3 : memref<16xf32, #tpu.memory_space<hbm>>) target(%arg9 : memref<16xf32, #tpu.memory_space<vmem>>) target_semaphore(%run_scoped3A : memref<!tpu.dma_semaphore, #tpu.memory_space<semaphore_mem>>)
      tpu.wait_dma2 semaphore(%run_scoped3A : memref<!tpu.dma_semaphore, #tpu.memory_space<semaphore_mem>>) src(%arg3 : memref<16xf32, #tpu.memory_space<hbm>>) dst(%arg9 : memref<16xf32, #tpu.memory_space<vmem>>)
      tpu.yield
    }) : () -> ()
    %get3A = arith.constant 0 : index
    %get3A_1 = tpu.vector_load %arg8[%get3A] {strides = array<i32>} : memref<64xf32, #tpu.memory_space<vmem>>, vector<16xf32>,
    %get3A_2 = arith.constant 16 : index
    %get3A_3 = tpu.vector_load %arg8[%get3A_2] {strides = array<i32>} : memref<64xf32, #tpu.memory_space<vmem>>, vector<16xf32>,
    %get3A_4 = arith.constant 32 : index
    %get3A_5 = tpu.vector_load %arg8[%get3A_4] {strides = array<i32>} : memref<64xf32, #tpu.memory_space<vmem>>, vector<16xf32>,
    %get3A_6 = arith.constant 48 : index
    %get3A_7 = tpu.vector_load %arg8[%get3A_6] {strides = array<i32>} : memref<64xf32, #tpu.memory_space<vmem>>, vector<16xf32>,
    %get3A_8 = arith.constant 0 : index
    %get3A_9 = tpu.vector_load %arg9[%get3A_8] {strides = array<i32>} : memref<16xf32, #tpu.memory_space<vmem>>, vector<16xf32>,
    %iota3A = tpu.iota {dimensions = array<i32: 0>} : vector<16xi32>
    %eq3A = arith.constant 0 : i32
    %eq3A_10 = vector.broadcast %eq3A : i32 to vector<16xi32>
    %eq3A_11 = arith.cmpi eq, %iota3A, %eq3A_10 : vector<16xi32>
    %eq3A_12 = arith.constant 1 : i32
    %eq3A_13 = vector.broadcast %eq3A_12 : i32 to vector<16xi32>
    %eq3A_14 = arith.cmpi eq, %iota3A, %eq3A_13 : vector<16xi32>
    %eq3A_15 = arith.constant 2 : i32
    %eq3A_16 = vector.broadcast %eq3A_15 : i32 to vector<16xi32>
    %eq3A_17 = arith.cmpi eq, %iota3A, %eq3A_16 : vector<16xi32>
    %eq3A_18 = arith.constant 3 : i32
    %eq3A_19 = vector.broadcast %eq3A_18 : i32 to vector<16xi32>
    %eq3A_20 = arith.cmpi eq, %iota3A, %eq3A_19 : vector<16xi32>
    %eq3A_21 = arith.constant 4 : i32
    %eq3A_22 = vector.broadcast %eq3A_21 : i32 to vector<16xi32>
    %eq3A_23 = arith.cmpi eq, %iota3A, %eq3A_22 : vector<16xi32>
    %eq3A_24 = arith.constant 5 : i32
    %eq3A_25 = vector.broadcast %eq3A_24 : i32 to vector<16xi32>
    %eq3A_26 = arith.cmpi eq, %iota3A, %eq3A_25 : vector<16xi32>
    %eq3A_27 = arith.constant 6 : i32
    %eq3A_28 = vector.broadcast %eq3A_27 : i32 to vector<16xi32>
    %eq3A_29 = arith.cmpi eq, %iota3A, %eq3A_28 : vector<16xi32>
    %eq3A_30 = arith.constant 7 : i32
    %eq3A_31 = vector.broadcast %eq3A_30 : i32 to vector<16xi32>
    %eq3A_32 = arith.cmpi eq, %iota3A, %eq3A_31 : vector<16xi32>
    %mul3A_33 = arith.constant 0 : i32
    %mul3A_34 = arith.muli %add3A, %mul3A_33 : i32
    %add3A_35 = arith.constant 2496 : i32
    %add3A_36 = arith.addi %add3A_35, %mul3A_34 : i32
    %min3A = arith.constant 4 : i32
    %min3A_37 = arith.minsi %add3A, %min3A : i32
    %add3A_38 = arith.addi %add3A_36, %min3A_37 : i32
    %lt3A = arith.constant 4 : i32
    %lt3A_39 = arith.cmpi slt, %add3A, %lt3A : i32
    %jit3A = arith.constant 1 : i32
    %jit3A_40 = arith.constant 0 : i32
    %select_n3A = arith.select %lt3A_39, %jit3A, %jit3A_40 : i32
    %add3A_41 = arith.constant 0 : i32
    %add3A_42 = arith.addi %add3A_41, %select_n3A : i32
    %gt3A = arith.constant 0 : i32
    %gt3A_43 = arith.cmpi sgt, %add3A_42, %gt3A : i32
    %convert_element_type3A = arith.extui %gt3A_43 : i1 to i32
    %cond3A = arith.constant 0 : i32
    %cond3A_44 = arith.cmpi ne, %convert_element_type3A, %cond3A : i32
    scf.if %cond3A_44 {
      %mul3A_69 = arith.constant 400 : i32
      %mul3A_70 = arith.muli %add3A_38, %mul3A_69 : i32
      %dma_start3A = arith.constant 0 : i32
      %dma_start3A_71 = arith.constant 0 : i32
      %dma_start3A_72 = arith.constant 0 : i32
      %dma_start3A_73 = arith.constant 0 : i32
      %dma_start3A_74 = arith.constant 0 : i32
      %dma_start3A_75 = tpu.memref_slice %arg10[%dma_start3A, %dma_start3A_73, %dma_start3A_74] : memref<2x400x64xf32, #tpu.memory_space<vmem>> -> memref<1x400x64xf32, #tpu.memory_space<vmem>>
      %dma_start3A_76 = tpu.memref_squeeze %dma_start3A_75 : memref<1x400x64xf32, #tpu.memory_space<vmem>> -> memref<400x64xf32, #tpu.memory_space<vmem>>
      %dma_start3A_77 = arith.constant 0 : i32
      %dma_start3A_78 = tpu.memref_slice %arg4[%mul3A_70, %dma_start3A_77] : memref<1000000x64xf32, #tpu.memory_space<hbm>> -> memref<400x64xf32, #tpu.memory_space<hbm>>
      %dma_start3A_79 = tpu.memref_slice %arg14[%dma_start3A_71, %dma_start3A_72] : memref<2x3x!tpu.dma_semaphore, #tpu.memory_space<semaphore_mem>> -> memref<1x1x!tpu.dma_semaphore, #tpu.memory_space<semaphore_mem>>
      %dma_start3A_80 = tpu.memref_squeeze %dma_start3A_79 : memref<1x1x!tpu.dma_semaphore, #tpu.memory_space<semaphore_mem>> -> memref<!tpu.dma_semaphore, #tpu.memory_space<semaphore_mem>>
      %dma_start3A_81 = arith.constant 0 : i32
      %dma_start3A_82 = arith.constant 0 : i32
      %dma_start3A_83 = tpu.memref_slice %arg10[%dma_start3A, %dma_start3A_81, %dma_start3A_82] : memref<2x400x64xf32, #tpu.memory_space<vmem>> -> memref<1x400x64xf32, #tpu.memory_space<vmem>>
      %dma_start3A_84 = tpu.memref_squeeze %dma_start3A_83 : memref<1x400x64xf32, #tpu.memory_space<vmem>> -> memref<400x64xf32, #tpu.memory_space<vmem>>
      %dma_start3A_85 = arith.constant 0 : i32
      %dma_start3A_86 = tpu.memref_slice %arg4[%mul3A_70, %dma_start3A_85] : memref<1000000x64xf32, #tpu.memory_space<hbm>> -> memref<400x64xf32, #tpu.memory_space<hbm>>
      tpu.enqueue_dma source(%dma_start3A_86 : memref<400x64xf32, #tpu.memory_space<hbm>>) target(%dma_start3A_84 : memref<400x64xf32, #tpu.memory_space<vmem>>) target_semaphore(%dma_start3A_80 : memref<!tpu.dma_semaphore, #tpu.memory_space<semaphore_mem>>)
      %dma_start3A_87 = arith.constant 0 : i32
      %dma_start3A_88 = arith.constant 1 : i32
      %dma_start3A_89 = arith.constant 0 : i32
      %dma_start3A_90 = tpu.memref_slice %arg11[%dma_start3A_89] : memref<816xf32, #tpu.memory_space<vmem>> -> memref<400xf32, #tpu.memory_space<vmem>>
      %dma_start3A_91 = tpu.memref_slice %arg5[%mul3A_70] : memref<1000000xf32, #tpu.memory_space<hbm>> -> memref<400xf32, #tpu.memory_space<hbm>>
      %dma_start3A_92 = tpu.memref_slice %arg14[%dma_start3A_87, %dma_start3A_88] : memref<2x3x!tpu.dma_semaphore, #tpu.memory_space<semaphore_mem>> -> memref<1x1x!tpu.dma_semaphore, #tpu.memory_space<semaphore_mem>>
      %dma_start3A_93 = tpu.memref_squeeze %dma_start3A_92 : memref<1x1x!tpu.dma_semaphore, #tpu.memory_space<semaphore_mem>> -> memref<!tpu.dma_semaphore, #tpu.memory_space<semaphore_mem>>
      %dma_start3A_94 = arith.constant 0 : i32
      %dma_start3A_95 = tpu.memref_slice %arg11[%dma_start3A_94] : memref<816xf32, #tpu.memory_space<vmem>> -> memref<400xf32, #tpu.memory_space<vmem>>
      %dma_start3A_96 = tpu.memref_slice %arg5[%mul3A_70] : memref<1000000xf32, #tpu.memory_space<hbm>> -> memref<400xf32, #tpu.memory_space<hbm>>
      tpu.enqueue_dma source(%dma_start3A_96 : memref<400xf32, #tpu.memory_space<hbm>>) target(%dma_start3A_95 : memref<400xf32, #tpu.memory_space<vmem>>) target_semaphore(%dma_start3A_93 : memref<!tpu.dma_semaphore, #tpu.memory_space<semaphore_mem>>)
      %dma_start3A_97 = arith.constant 0 : i32
      %dma_start3A_98 = arith.constant 2 : i32
      %dma_start3A_99 = arith.constant 0 : i32
      %dma_start3A_100 = tpu.memref_slice %arg12[%dma_start3A_99] : memref<816xf32, #tpu.memory_space<vmem>> -> memref<400xf32, #tpu.memory_space<vmem>>
      %dma_start3A_101 = tpu.memref_slice %arg6[%mul3A_70] : memref<1000000xf32, #tpu.memory_space<hbm>> -> memref<400xf32, #tpu.memory_space<hbm>>
      %dma_start3A_102 = tpu.memref_slice %arg14[%dma_start3A_97, %dma_start3A_98] : memref<2x3x!tpu.dma_semaphore, #tpu.memory_space<semaphore_mem>> -> memref<1x1x!tpu.dma_semaphore, #tpu.memory_space<semaphore_mem>>
      %dma_start3A_103 = tpu.memref_squeeze %dma_start3A_102 : memref<1x1x!tpu.dma_semaphore, #tpu.memory_space<semaphore_mem>> -> memref<!tpu.dma_semaphore, #tpu.memory_space<semaphore_mem>>
      %dma_start3A_104 = arith.constant 0 : i32
      %dma_start3A_105 = tpu.memref_slice %arg12[%dma_start3A_104] : memref<816xf32, #tpu.memory_space<vmem>> -> memref<400xf32, #tpu.memory_space<vmem>>
      %dma_start3A_106 = tpu.memref_slice %arg6[%mul3A_70] : memref<1000000xf32, #tpu.memory_space<hbm>> -> memref<400xf32, #tpu.memory_space<hbm>>
      tpu.enqueue_dma source(%dma_start3A_106 : memref<400xf32, #tpu.memory_space<hbm>>) target(%dma_start3A_105 : memref<400xf32, #tpu.memory_space<vmem>>) target_semaphore(%dma_start3A_103 : memref<!tpu.dma_semaphore, #tpu.memory_space<semaphore_mem>>)
    } else {
    }
    %broadcast_in_dim3A = arith.constant 0.000000e+00 : f32
    %broadcast_in_dim3A_45 = vector.broadcast %broadcast_in_dim3A : f32 to vector<16xf32>
    %while3A = arith.constant 0 : i32
    %while3A_46 = arith.constant -1.000000e+30 : f32
    %while3A_47 = arith.subi %add3A_42, %while3A : i32
    %while3A_48 = arith.addi %while3A, %while3A_47 : i32
    %while3A_49 = arith.constant 1 : i32
    %while3A_50 = arith.divsi %while3A_47, %while3A_49 : i32
    %while3A_51 = arith.muli %while3A_50, %while3A_49 : i32
    %while3A_52 = arith.addi %while3A, %while3A_51 : i32
    %while3A_53 = arith.constant 1 : i32
    %while3A_54:6 = scf.for %while3A_69 = %while3A to %while3A_52 step %while3A_53 iter_args(%while3A_70 = %while3A_46, %while3A_71 = %broadcast_in_dim3A_45, %while3A_72 = %broadcast_in_dim3A_45, %while3A_73 = %broadcast_in_dim3A_45, %while3A_74 = %broadcast_in_dim3A_45, %while3A_75 = %broadcast_in_dim3A_45) -> (f32, vector<16xf32>, vector<16xf32>, vector<16xf32>, vector<16xf32>, vector<16xf32>)  : i32 {
      %rem3A = arith.constant 2 : i32
      %rem3A_76 = arith.remsi %while3A_69, %rem3A : i32
      %add3A_77 = arith.addi %add3A_38, %while3A_69 : i32
      %add3A_78 = arith.constant 1 : i32
      %add3A_79 = arith.addi %while3A_69, %add3A_78 : i32
      %lt3A_80 = arith.cmpi slt, %add3A_79, %add3A_42 : i32
      %convert_element_type3A_81 = arith.extui %lt3A_80 : i1 to i32
      %cond3A_82 = arith.constant 0 : i32
      %cond3A_83 = arith.cmpi ne, %convert_element_type3A_81, %cond3A_82 : i32
      scf.if %cond3A_83 {
        %sub3A = arith.constant 1 : i32
        %sub3A_121 = arith.subi %sub3A, %rem3A_76 : i32
        %add3A_122 = arith.constant 1 : i32
        %add3A_123 = arith.addi %add3A_77, %add3A_122 : i32
        %mul3A_124 = arith.constant 400 : i32
        %mul3A_125 = arith.muli %add3A_123, %mul3A_124 : i32
        %dma_start3A = arith.constant 0 : i32
        %dma_start3A_126 = arith.constant 0 : i32
        %dma_start3A_127 = arith.constant 0 : i32
        %dma_start3A_128 = tpu.memref_slice %arg10[%sub3A_121, %dma_start3A_126, %dma_start3A_127] : memref<2x400x64xf32, #tpu.memory_space<vmem>> -> memref<1x400x64xf32, #tpu.memory_space<vmem>>
        %dma_start3A_129 = tpu.memref_squeeze %dma_start3A_128 : memref<1x400x64xf32, #tpu.memory_space<vmem>> -> memref<400x64xf32, #tpu.memory_space<vmem>>
        %dma_start3A_130 = arith.constant 0 : i32
        %dma_start3A_131 = tpu.memref_slice %arg4[%mul3A_125, %dma_start3A_130] : memref<1000000x64xf32, #tpu.memory_space<hbm>> -> memref<400x64xf32, #tpu.memory_space<hbm>>
        %dma_start3A_132 = tpu.memref_slice %arg14[%sub3A_121, %dma_start3A] : memref<2x3x!tpu.dma_semaphore, #tpu.memory_space<semaphore_mem>> -> memref<1x1x!tpu.dma_semaphore, #tpu.memory_space<semaphore_mem>>
        %dma_start3A_133 = tpu.memref_squeeze %dma_start3A_132 : memref<1x1x!tpu.dma_semaphore, #tpu.memory_space<semaphore_mem>> -> memref<!tpu.dma_semaphore, #tpu.memory_space<semaphore_mem>>
        %dma_start3A_134 = arith.constant 0 : i32
        %dma_start3A_135 = arith.constant 0 : i32
        %dma_start3A_136 = tpu.memref_slice %arg10[%sub3A_121, %dma_start3A_134, %dma_start3A_135] : memref<2x400x64xf32, #tpu.memory_space<vmem>> -> memref<1x400x64xf32, #tpu.memory_space<vmem>>
        %dma_start3A_137 = tpu.memref_squeeze %dma_start3A_136 : memref<1x400x64xf32, #tpu.memory_space<vmem>> -> memref<400x64xf32, #tpu.memory_space<vmem>>
        %dma_start3A_138 = arith.constant 0 : i32
        %dma_start3A_139 = tpu.memref_slice %arg4[%mul3A_125, %dma_start3A_138] : memref<1000000x64xf32, #tpu.memory_space<hbm>> -> memref<400x64xf32, #tpu.memory_space<hbm>>
        tpu.enqueue_dma source(%dma_start3A_139 : memref<400x64xf32, #tpu.memory_space<hbm>>) target(%dma_start3A_137 : memref<400x64xf32, #tpu.memory_space<vmem>>) target_semaphore(%dma_start3A_133 : memref<!tpu.dma_semaphore, #tpu.memory_space<semaphore_mem>>)
        %mul3A_140 = arith.constant 400 : i32
        %mul3A_141 = arith.muli %sub3A_121, %mul3A_140 : i32
        %dma_start3A_142 = arith.constant 1 : i32
        %dma_start3A_143 = tpu.memref_slice %arg11[%mul3A_141] : memref<816xf32, #tpu.memory_space<vmem>> -> memref<400xf32, #tpu.memory_space<vmem>>
        %dma_start3A_144 = tpu.memref_slice %arg5[%mul3A_125] : memref<1000000xf32, #tpu.memory_space<hbm>> -> memref<400xf32, #tpu.memory_space<hbm>>
        %dma_start3A_145 = tpu.memref_slice %arg14[%sub3A_121, %dma_start3A_142] : memref<2x3x!tpu.dma_semaphore, #tpu.memory_space<semaphore_mem>> -> memref<1x1x!tpu.dma_semaphore, #tpu.memory_space<semaphore_mem>>
        %dma_start3A_146 = tpu.memref_squeeze %dma_start3A_145 : memref<1x1x!tpu.dma_semaphore, #tpu.memory_space<semaphore_mem>> -> memref<!tpu.dma_semaphore, #tpu.memory_space<semaphore_mem>>
        %dma_start3A_147 = tpu.memref_slice %arg11[%mul3A_141] : memref<816xf32, #tpu.memory_space<vmem>> -> memref<400xf32, #tpu.memory_space<vmem>>
        %dma_start3A_148 = tpu.memref_slice %arg5[%mul3A_125] : memref<1000000xf32, #tpu.memory_space<hbm>> -> memref<400xf32, #tpu.memory_space<hbm>>
        tpu.enqueue_dma source(%dma_start3A_148 : memref<400xf32, #tpu.memory_space<hbm>>) target(%dma_start3A_147 : memref<400xf32, #tpu.memory_space<vmem>>) target_semaphore(%dma_start3A_146 : memref<!tpu.dma_semaphore, #tpu.memory_space<semaphore_mem>>)
        %mul3A_149 = arith.constant 400 : i32
        %mul3A_150 = arith.muli %sub3A_121, %mul3A_149 : i32
        %dma_start3A_151 = arith.constant 2 : i32
        %dma_start3A_152 = tpu.memref_slice %arg12[%mul3A_150] : memref<816xf32, #tpu.memory_space<vmem>> -> memref<400xf32, #tpu.memory_space<vmem>>
        %dma_start3A_153 = tpu.memref_slice %arg6[%mul3A_125] : memref<1000000xf32, #tpu.memory_space<hbm>> -> memref<400xf32, #tpu.memory_space<hbm>>
        %dma_start3A_154 = tpu.memref_slice %arg14[%sub3A_121, %dma_start3A_151] : memref<2x3x!tpu.dma_semaphore, #tpu.memory_space<semaphore_mem>> -> memref<1x1x!tpu.dma_semaphore, #tpu.memory_space<semaphore_mem>>
        %dma_start3A_155 = tpu.memref_squeeze %dma_start3A_154 : memref<1x1x!tpu.dma_semaphore, #tpu.memory_space<semaphore_mem>> -> memref<!tpu.dma_semaphore, #tpu.memory_space<semaphore_mem>>
        %dma_start3A_156 = tpu.memref_slice %arg12[%mul3A_150] : memref<816xf32, #tpu.memory_space<vmem>> -> memref<400xf32, #tpu.memory_space<vmem>>
        %dma_start3A_157 = tpu.memref_slice %arg6[%mul3A_125] : memref<1000000xf32, #tpu.memory_space<hbm>> -> memref<400xf32, #tpu.memory_space<hbm>>
        tpu.enqueue_dma source(%dma_start3A_157 : memref<400xf32, #tpu.memory_space<hbm>>) target(%dma_start3A_156 : memref<400xf32, #tpu.memory_space<vmem>>) target_semaphore(%dma_start3A_155 : memref<!tpu.dma_semaphore, #tpu.memory_space<semaphore_mem>>)
      } else {
      }
      %mul3A_84 = arith.constant 400 : i32
      %mul3A_85 = arith.muli %add3A_77, %mul3A_84 : i32
      %dma_wait3A = arith.constant 0 : i32
      %dma_wait3A_86 = arith.constant 0 : i32
      %dma_wait3A_87 = arith.constant 0 : i32
      %dma_wait3A_88 = tpu.memref_slice %arg10[%rem3A_76, %dma_wait3A_86, %dma_wait3A_87] : memref<2x400x64xf32, #tpu.memory_space<vmem>> -> memref<1x400x64xf32, #tpu.memory_space<vmem>>
      %dma_wait3A_89 = tpu.memref_squeeze %dma_wait3A_88 : memref<1x400x64xf32, #tpu.memory_space<vmem>> -> memref<400x64xf32, #tpu.memory_space<vmem>>
      %dma_wait3A_90 = arith.constant 0 : i32
      %dma_wait3A_91 = tpu.memref_slice %arg4[%mul3A_85, %dma_wait3A_90] : memref<1000000x64xf32, #tpu.memory_space<hbm>> -> memref<400x64xf32, #tpu.memory_space<hbm>>
      %dma_wait3A_92 = tpu.memref_slice %arg14[%rem3A_76, %dma_wait3A] : memref<2x3x!tpu.dma_semaphore, #tpu.memory_space<semaphore_mem>> -> memref<1x1x!tpu.dma_semaphore, #tpu.memory_space<semaphore_mem>>
      %dma_wait3A_93 = tpu.memref_squeeze %dma_wait3A_92 : memref<1x1x!tpu.dma_semaphore, #tpu.memory_space<semaphore_mem>> -> memref<!tpu.dma_semaphore, #tpu.memory_space<semaphore_mem>>
      %dma_wait3A_94 = arith.constant 0 : i32
      %dma_wait3A_95 = arith.constant 0 : i32
      %dma_wait3A_96 = tpu.memref_slice %arg10[%rem3A_76, %dma_wait3A_94, %dma_wait3A_95] : memref<2x400x64xf32, #tpu.memory_space<vmem>> -> memref<1x400x64xf32, #tpu.memory_space<vmem>>
      %dma_wait3A_97 = tpu.memref_squeeze %dma_wait3A_96 : memref<1x400x64xf32, #tpu.memory_space<vmem>> -> memref<400x64xf32, #tpu.memory_space<vmem>>
      %dma_wait3A_98 = arith.constant 0 : i32
      %dma_wait3A_99 = tpu.memref_slice %arg4[%mul3A_85, %dma_wait3A_98] : memref<1000000x64xf32, #tpu.memory_space<hbm>> -> memref<400x64xf32, #tpu.memory_space<hbm>>
      tpu.wait_dma2 semaphore(%dma_wait3A_93 : memref<!tpu.dma_semaphore, #tpu.memory_space<semaphore_mem>>) src(%dma_wait3A_99 : memref<400x64xf32, #tpu.memory_space<hbm>>) dst(%dma_wait3A_97 : memref<400x64xf32, #tpu.memory_space<vmem>>)
      %mul3A_100 = arith.constant 400 : i32
      %mul3A_101 = arith.muli %rem3A_76, %mul3A_100 : i32
      %dma_wait3A_102 = arith.constant 1 : i32
      %dma_wait3A_103 = tpu.memref_slice %arg11[%mul3A_101] : memref<816xf32, #tpu.memory_space<vmem>> -> memref<400xf32, #tpu.memory_space<vmem>>
      %dma_wait3A_104 = tpu.memref_slice %arg5[%mul3A_85] : memref<1000000xf32, #tpu.memory_space<hbm>> -> memref<400xf32, #tpu.memory_space<hbm>>
      %dma_wait3A_105 = tpu.memref_slice %arg14[%rem3A_76, %dma_wait3A_102] : memref<2x3x!tpu.dma_semaphore, #tpu.memory_space<semaphore_mem>> -> memref<1x1x!tpu.dma_semaphore, #tpu.memory_space<semaphore_mem>>
      %dma_wait3A_106 = tpu.memref_squeeze %dma_wait3A_105 : memref<1x1x!tpu.dma_semaphore, #tpu.memory_space<semaphore_mem>> -> memref<!tpu.dma_semaphore, #tpu.memory_space<semaphore_mem>>
      %dma_wait3A_107 = tpu.memref_slice %arg11[%mul3A_101] : memref<816xf32, #tpu.memory_space<vmem>> -> memref<400xf32, #tpu.memory_space<vmem>>
      %dma_wait3A_108 = tpu.memref_slice %arg5[%mul3A_85] : memref<1000000xf32, #tpu.memory_space<hbm>> -> memref<400xf32, #tpu.memory_space<hbm>>
      tpu.wait_dma2 semaphore(%dma_wait3A_106 : memref<!tpu.dma_semaphore, #tpu.memory_space<semaphore_mem>>) src(%dma_wait3A_108 : memref<400xf32, #tpu.memory_space<hbm>>) dst(%dma_wait3A_107 : memref<400xf32, #tpu.memory_space<vmem>>)
      %mul3A_109 = arith.constant 400 : i32
      %mul3A_110 = arith.muli %rem3A_76, %mul3A_109 : i32
      %dma_wait3A_111 = arith.constant 2 : i32
      %dma_wait3A_112 = tpu.memref_slice %arg12[%mul3A_110] : memref<816xf32, #tpu.memory_space<vmem>> -> memref<400xf32, #tpu.memory_space<vmem>>
      %dma_wait3A_113 = tpu.memref_slice %arg6[%mul3A_85] : memref<1000000xf32, #tpu.memory_space<hbm>> -> memref<400xf32, #tpu.memory_space<hbm>>
      %dma_wait3A_114 = tpu.memref_slice %arg14[%rem3A_76, %dma_wait3A_111] : memref<2x3x!tpu.dma_semaphore, #tpu.memory_space<semaphore_mem>> -> memref<1x1x!tpu.dma_semaphore, #tpu.memory_space<semaphore_mem>>
      %dma_wait3A_115 = tpu.memref_squeeze %dma_wait3A_114 : memref<1x1x!tpu.dma_semaphore, #tpu.memory_space<semaphore_mem>> -> memref<!tpu.dma_semaphore, #tpu.memory_space<semaphore_mem>>
      %dma_wait3A_116 = tpu.memref_slice %arg12[%mul3A_110] : memref<816xf32, #tpu.memory_space<vmem>> -> memref<400xf32, #tpu.memory_space<vmem>>
      %dma_wait3A_117 = tpu.memref_slice %arg6[%mul3A_85] : memref<1000000xf32, #tpu.memory_space<hbm>> -> memref<400xf32, #tpu.memory_space<hbm>>
      tpu.wait_dma2 semaphore(%dma_wait3A_115 : memref<!tpu.dma_semaphore, #tpu.memory_space<semaphore_mem>>) src(%dma_wait3A_117 : memref<400xf32, #tpu.memory_space<hbm>>) dst(%dma_wait3A_116 : memref<400xf32, #tpu.memory_space<vmem>>)
      %parallel_loop3A = arith.constant 0 : i32
      %parallel_loop3A_118 = arith.constant 50 : i32
      %parallel_loop3A_119 = arith.constant 1 : i32
      %parallel_loop3A_120:6 = scf.for %parallel_loop3A_121 = %parallel_loop3A to %parallel_loop3A_118 step %parallel_loop3A_119 iter_args(%parallel_loop3A_122 = %while3A_70, %parallel_loop3A_123 = %while3A_71, %parallel_loop3A_124 = %while3A_72, %parallel_loop3A_125 = %while3A_73, %parallel_loop3A_126 = %while3A_74, %parallel_loop3A_127 = %while3A_75) -> (f32, vector<16xf32>, vector<16xf32>, vector<16xf32>, vector<16xf32>, vector<16xf32>)  : i32 {
        %parallel_loop3A_128 = arith.constant 8 : i32
        %parallel_loop3A_129 = arith.muli %parallel_loop3A_121, %parallel_loop3A_128 : i32
        %parallel_loop3A_130 = arith.constant 400 : i32
        %parallel_loop3A_131 = arith.muli %rem3A_76, %parallel_loop3A_130 : i32
        %parallel_loop3A_132 = arith.addi %parallel_loop3A_131, %parallel_loop3A_129 : i32
        %parallel_loop3A_133 = arith.index_cast %parallel_loop3A_132 : i32 to index
        %parallel_loop3A_134 = tpu.vector_load %arg11[%parallel_loop3A_133] {strides = array<i32>} : memref<816xf32, #tpu.memory_space<vmem>>, vector<16xf32>,
        %parallel_loop3A_135 = arith.constant 400 : i32
        %parallel_loop3A_136 = arith.muli %rem3A_76, %parallel_loop3A_135 : i32
        %parallel_loop3A_137 = arith.addi %parallel_loop3A_136, %parallel_loop3A_129 : i32
        %parallel_loop3A_138 = arith.index_cast %parallel_loop3A_137 : i32 to index
        %parallel_loop3A_139 = tpu.vector_load %arg12[%parallel_loop3A_138] {strides = array<i32>} : memref<816xf32, #tpu.memory_space<vmem>>, vector<16xf32>,
        %parallel_loop3A_140 = arith.subf %get3A_9, %parallel_loop3A_134 : vector<16xf32>
        %parallel_loop3A_141 = math.absf %parallel_loop3A_140 : vector<16xf32>
        %parallel_loop3A_142 = arith.constant 1.000000e+00 : f32
        %parallel_loop3A_143 = vector.broadcast %parallel_loop3A_142 : f32 to vector<16xf32>
        %parallel_loop3A_144 = arith.cmpf ole, %parallel_loop3A_141, %parallel_loop3A_143 : vector<16xf32>
        %parallel_loop3A_145 = arith.constant 5.000000e-01 : f32
        %parallel_loop3A_146 = vector.broadcast %parallel_loop3A_145 : f32 to vector<16xf32>
        %parallel_loop3A_147 = arith.cmpf ogt, %parallel_loop3A_139, %parallel_loop3A_146 : vector<16xf32>
        %parallel_loop3A_148 = arith.andi %parallel_loop3A_144, %parallel_loop3A_147 : vector<16xi1>
        %parallel_loop3A_149 = arith.constant 1.000000e+00 : f32
        %parallel_loop3A_150 = arith.constant 0.000000e+00 : f32
        %parallel_loop3A_151 = vector.broadcast %parallel_loop3A_149 : f32 to vector<16xf32>
        %parallel_loop3A_152 = vector.broadcast %parallel_loop3A_150 : f32 to vector<16xf32>
        %parallel_loop3A_153 = arith.select %parallel_loop3A_148, %parallel_loop3A_151, %parallel_loop3A_152 : vector<16xi1>, vector<16xf32>
        %parallel_loop3A_154 = arith.constant 0 : i32
        %parallel_loop3A_155 = arith.addi %parallel_loop3A_129, %parallel_loop3A_154 : i32
        %parallel_loop3A_156 = arith.index_cast %rem3A_76 : i32 to index
        %parallel_loop3A_157 = arith.index_cast %parallel_loop3A_155 : i32 to index
        %parallel_loop3A_158 = arith.constant 0 : index
        %parallel_loop3A_159 = tpu.vector_load %arg10[%parallel_loop3A_156, %parallel_loop3A_157, %parallel_loop3A_158] {strides = array<i32>} : memref<2x400x64xf32, #tpu.memory_space<vmem>>, vector<16xf32>,
        %parallel_loop3A_160 = arith.index_cast %rem3A_76 : i32 to index
        %parallel_loop3A_161 = arith.index_cast %parallel_loop3A_155 : i32 to index
        %parallel_loop3A_162 = arith.constant 16 : index
        %parallel_loop3A_163 = tpu.vector_load %arg10[%parallel_loop3A_160, %parallel_loop3A_161, %parallel_loop3A_162] {strides = array<i32>} : memref<2x400x64xf32, #tpu.memory_space<vmem>>, vector<16xf32>,
        %parallel_loop3A_164 = arith.index_cast %rem3A_76 : i32 to index
        %parallel_loop3A_165 = arith.index_cast %parallel_loop3A_155 : i32 to index
        %parallel_loop3A_166 = arith.constant 32 : index
        %parallel_loop3A_167 = tpu.vector_load %arg10[%parallel_loop3A_164, %parallel_loop3A_165, %parallel_loop3A_166] {strides = array<i32>} : memref<2x400x64xf32, #tpu.memory_space<vmem>>, vector<16xf32>,
        %parallel_loop3A_168 = arith.index_cast %rem3A_76 : i32 to index
        %parallel_loop3A_169 = arith.index_cast %parallel_loop3A_155 : i32 to index
        %parallel_loop3A_170 = arith.constant 48 : index
        %parallel_loop3A_171 = tpu.vector_load %arg10[%parallel_loop3A_168, %parallel_loop3A_169, %parallel_loop3A_170] {strides = array<i32>} : memref<2x400x64xf32, #tpu.memory_space<vmem>>, vector<16xf32>,
        %parallel_loop3A_172 = arith.mulf %parallel_loop3A_159, %get3A_1 : vector<16xf32>
        %parallel_loop3A_173 = arith.mulf %parallel_loop3A_163, %get3A_3 : vector<16xf32>
        %parallel_loop3A_174 = arith.addf %parallel_loop3A_172, %parallel_loop3A_173 : vector<16xf32>
        %parallel_loop3A_175 = arith.mulf %parallel_loop3A_167, %get3A_5 : vector<16xf32>
        %parallel_loop3A_176 = arith.mulf %parallel_loop3A_171, %get3A_7 : vector<16xf32>
        %parallel_loop3A_177 = arith.addf %parallel_loop3A_175, %parallel_loop3A_176 : vector<16xf32>
        %parallel_loop3A_178 = arith.addf %parallel_loop3A_174, %parallel_loop3A_177 : vector<16xf32>
        %parallel_loop3A_179 = arith.constant true
        %parallel_loop3A_180 = vector.broadcast %parallel_loop3A_179 : i1 to vector<16xi1>
        %parallel_loop3A_181 = tpu.scan <sum>, %parallel_loop3A_178 masked %parallel_loop3A_180 : vector<16xf32>, vector<16xi1> -> vector<16xf32>
        %parallel_loop3A_182 = vector.extract %parallel_loop3A_181[15] : f32 from vector<16xf32>
        %parallel_loop3A_183 = arith.constant 1 : i32
        %parallel_loop3A_184 = arith.addi %parallel_loop3A_129, %parallel_loop3A_183 : i32
        %parallel_loop3A_185 = arith.index_cast %rem3A_76 : i32 to index
        %parallel_loop3A_186 = arith.index_cast %parallel_loop3A_184 : i32 to index
        %parallel_loop3A_187 = arith.constant 0 : index
        %parallel_loop3A_188 = tpu.vector_load %arg10[%parallel_loop3A_185, %parallel_loop3A_186, %parallel_loop3A_187] {strides = array<i32>} : memref<2x400x64xf32, #tpu.memory_space<vmem>>, vector<16xf32>,
        %parallel_loop3A_189 = arith.index_cast %rem3A_76 : i32 to index
        %parallel_loop3A_190 = arith.index_cast %parallel_loop3A_184 : i32 to index
        %parallel_loop3A_191 = arith.constant 16 : index
        %parallel_loop3A_192 = tpu.vector_load %arg10[%parallel_loop3A_189, %parallel_loop3A_190, %parallel_loop3A_191] {strides = array<i32>} : memref<2x400x64xf32, #tpu.memory_space<vmem>>, vector<16xf32>,
        %parallel_loop3A_193 = arith.index_cast %rem3A_76 : i32 to index
        %parallel_loop3A_194 = arith.index_cast %parallel_loop3A_184 : i32 to index
        %parallel_loop3A_195 = arith.constant 32 : index
        %parallel_loop3A_196 = tpu.vector_load %arg10[%parallel_loop3A_193, %parallel_loop3A_194, %parallel_loop3A_195] {strides = array<i32>} : memref<2x400x64xf32, #tpu.memory_space<vmem>>, vector<16xf32>,
        %parallel_loop3A_197 = arith.index_cast %rem3A_76 : i32 to index
        %parallel_loop3A_198 = arith.index_cast %parallel_loop3A_184 : i32 to index
        %parallel_loop3A_199 = arith.constant 48 : index
        %parallel_loop3A_200 = tpu.vector_load %arg10[%parallel_loop3A_197, %parallel_loop3A_198, %parallel_loop3A_199] {strides = array<i32>} : memref<2x400x64xf32, #tpu.memory_space<vmem>>, vector<16xf32>,
        %parallel_loop3A_201 = arith.mulf %parallel_loop3A_188, %get3A_1 : vector<16xf32>
        %parallel_loop3A_202 = arith.mulf %parallel_loop3A_192, %get3A_3 : vector<16xf32>
        %parallel_loop3A_203 = arith.addf %parallel_loop3A_201, %parallel_loop3A_202 : vector<16xf32>
        %parallel_loop3A_204 = arith.mulf %parallel_loop3A_196, %get3A_5 : vector<16xf32>
        %parallel_loop3A_205 = arith.mulf %parallel_loop3A_200, %get3A_7 : vector<16xf32>
        %parallel_loop3A_206 = arith.addf %parallel_loop3A_204, %parallel_loop3A_205 : vector<16xf32>
        %parallel_loop3A_207 = arith.addf %parallel_loop3A_203, %parallel_loop3A_206 : vector<16xf32>
        %parallel_loop3A_208 = arith.constant true
        %parallel_loop3A_209 = vector.broadcast %parallel_loop3A_208 : i1 to vector<16xi1>
        %parallel_loop3A_210 = tpu.scan <sum>, %parallel_loop3A_207 masked %parallel_loop3A_209 : vector<16xf32>, vector<16xi1> -> vector<16xf32>
        %parallel_loop3A_211 = vector.extract %parallel_loop3A_210[15] : f32 from vector<16xf32>
        %parallel_loop3A_212 = arith.constant 2 : i32
        %parallel_loop3A_213 = arith.addi %parallel_loop3A_129, %parallel_loop3A_212 : i32
        %parallel_loop3A_214 = arith.index_cast %rem3A_76 : i32 to index
        %parallel_loop3A_215 = arith.index_cast %parallel_loop3A_213 : i32 to index
        %parallel_loop3A_216 = arith.constant 0 : index
        %parallel_loop3A_217 = tpu.vector_load %arg10[%parallel_loop3A_214, %parallel_loop3A_215, %parallel_loop3A_216] {strides = array<i32>} : memref<2x400x64xf32, #tpu.memory_space<vmem>>, vector<16xf32>,
        %parallel_loop3A_218 = arith.index_cast %rem3A_76 : i32 to index
        %parallel_loop3A_219 = arith.index_cast %parallel_loop3A_213 : i32 to index
        %parallel_loop3A_220 = arith.constant 16 : index
        %parallel_loop3A_221 = tpu.vector_load %arg10[%parallel_loop3A_218, %parallel_loop3A_219, %parallel_loop3A_220] {strides = array<i32>} : memref<2x400x64xf32, #tpu.memory_space<vmem>>, vector<16xf32>,
        %parallel_loop3A_222 = arith.index_cast %rem3A_76 : i32 to index
        %parallel_loop3A_223 = arith.index_cast %parallel_loop3A_213 : i32 to index
        %parallel_loop3A_224 = arith.constant 32 : index
        %parallel_loop3A_225 = tpu.vector_load %arg10[%parallel_loop3A_222, %parallel_loop3A_223, %parallel_loop3A_224] {strides = array<i32>} : memref<2x400x64xf32, #tpu.memory_space<vmem>>, vector<16xf32>,
        %parallel_loop3A_226 = arith.index_cast %rem3A_76 : i32 to index
        %parallel_loop3A_227 = arith.index_cast %parallel_loop3A_213 : i32 to index
        %parallel_loop3A_228 = arith.constant 48 : index
        %parallel_loop3A_229 = tpu.vector_load %arg10[%parallel_loop3A_226, %parallel_loop3A_227, %parallel_loop3A_228] {strides = array<i32>} : memref<2x400x64xf32, #tpu.memory_space<vmem>>, vector<16xf32>,
        %parallel_loop3A_230 = arith.mulf %parallel_loop3A_217, %get3A_1 : vector<16xf32>
        %parallel_loop3A_231 = arith.mulf %parallel_loop3A_221, %get3A_3 : vector<16xf32>
        %parallel_loop3A_232 = arith.addf %parallel_loop3A_230, %parallel_loop3A_231 : vector<16xf32>
        %parallel_loop3A_233 = arith.mulf %parallel_loop3A_225, %get3A_5 : vector<16xf32>
        %parallel_loop3A_234 = arith.mulf %parallel_loop3A_229, %get3A_7 : vector<16xf32>
        %parallel_loop3A_235 = arith.addf %parallel_loop3A_233, %parallel_loop3A_234 : vector<16xf32>
        %parallel_loop3A_236 = arith.addf %parallel_loop3A_232, %parallel_loop3A_235 : vector<16xf32>
        %parallel_loop3A_237 = arith.constant true
        %parallel_loop3A_238 = vector.broadcast %parallel_loop3A_237 : i1 to vector<16xi1>
        %parallel_loop3A_239 = tpu.scan <sum>, %parallel_loop3A_236 masked %parallel_loop3A_238 : vector<16xf32>, vector<16xi1> -> vector<16xf32>
        %parallel_loop3A_240 = vector.extract %parallel_loop3A_239[15] : f32 from vector<16xf32>
        %parallel_loop3A_241 = arith.constant 3 : i32
        %parallel_loop3A_242 = arith.addi %parallel_loop3A_129, %parallel_loop3A_241 : i32
        %parallel_loop3A_243 = arith.index_cast %rem3A_76 : i32 to index
        %parallel_loop3A_244 = arith.index_cast %parallel_loop3A_242 : i32 to index
        %parallel_loop3A_245 = arith.constant 0 : index
        %parallel_loop3A_246 = tpu.vector_load %arg10[%parallel_loop3A_243, %parallel_loop3A_244, %parallel_loop3A_245] {strides = array<i32>} : memref<2x400x64xf32, #tpu.memory_space<vmem>>, vector<16xf32>,
        %parallel_loop3A_247 = arith.index_cast %rem3A_76 : i32 to index
        %parallel_loop3A_248 = arith.index_cast %parallel_loop3A_242 : i32 to index
        %parallel_loop3A_249 = arith.constant 16 : index
        %parallel_loop3A_250 = tpu.vector_load %arg10[%parallel_loop3A_247, %parallel_loop3A_248, %parallel_loop3A_249] {strides = array<i32>} : memref<2x400x64xf32, #tpu.memory_space<vmem>>, vector<16xf32>,
        %parallel_loop3A_251 = arith.index_cast %rem3A_76 : i32 to index
        %parallel_loop3A_252 = arith.index_cast %parallel_loop3A_242 : i32 to index
        %parallel_loop3A_253 = arith.constant 32 : index
        %parallel_loop3A_254 = tpu.vector_load %arg10[%parallel_loop3A_251, %parallel_loop3A_252, %parallel_loop3A_253] {strides = array<i32>} : memref<2x400x64xf32, #tpu.memory_space<vmem>>, vector<16xf32>,
        %parallel_loop3A_255 = arith.index_cast %rem3A_76 : i32 to index
        %parallel_loop3A_256 = arith.index_cast %parallel_loop3A_242 : i32 to index
        %parallel_loop3A_257 = arith.constant 48 : index
        %parallel_loop3A_258 = tpu.vector_load %arg10[%parallel_loop3A_255, %parallel_loop3A_256, %parallel_loop3A_257] {strides = array<i32>} : memref<2x400x64xf32, #tpu.memory_space<vmem>>, vector<16xf32>,
        %parallel_loop3A_259 = arith.mulf %parallel_loop3A_246, %get3A_1 : vector<16xf32>
        %parallel_loop3A_260 = arith.mulf %parallel_loop3A_250, %get3A_3 : vector<16xf32>
        %parallel_loop3A_261 = arith.addf %parallel_loop3A_259, %parallel_loop3A_260 : vector<16xf32>
        %parallel_loop3A_262 = arith.mulf %parallel_loop3A_254, %get3A_5 : vector<16xf32>
        %parallel_loop3A_263 = arith.mulf %parallel_loop3A_258, %get3A_7 : vector<16xf32>
        %parallel_loop3A_264 = arith.addf %parallel_loop3A_262, %parallel_loop3A_263 : vector<16xf32>
        %parallel_loop3A_265 = arith.addf %parallel_loop3A_261, %parallel_loop3A_264 : vector<16xf32>
        %parallel_loop3A_266 = arith.constant true
        %parallel_loop3A_267 = vector.broadcast %parallel_loop3A_266 : i1 to vector<16xi1>
        %parallel_loop3A_268 = tpu.scan <sum>, %parallel_loop3A_265 masked %parallel_loop3A_267 : vector<16xf32>, vector<16xi1> -> vector<16xf32>
        %parallel_loop3A_269 = vector.extract %parallel_loop3A_268[15] : f32 from vector<16xf32>
        %parallel_loop3A_270 = arith.constant 4 : i32
        %parallel_loop3A_271 = arith.addi %parallel_loop3A_129, %parallel_loop3A_270 : i32
        %parallel_loop3A_272 = arith.index_cast %rem3A_76 : i32 to index
        %parallel_loop3A_273 = arith.index_cast %parallel_loop3A_271 : i32 to index
        %parallel_loop3A_274 = arith.constant 0 : index
        %parallel_loop3A_275 = tpu.vector_load %arg10[%parallel_loop3A_272, %parallel_loop3A_273, %parallel_loop3A_274] {strides = array<i32>} : memref<2x400x64xf32, #tpu.memory_space<vmem>>, vector<16xf32>,
        %parallel_loop3A_276 = arith.index_cast %rem3A_76 : i32 to index
        %parallel_loop3A_277 = arith.index_cast %parallel_loop3A_271 : i32 to index
        %parallel_loop3A_278 = arith.constant 16 : index
        %parallel_loop3A_279 = tpu.vector_load %arg10[%parallel_loop3A_276, %parallel_loop3A_277, %parallel_loop3A_278] {strides = array<i32>} : memref<2x400x64xf32, #tpu.memory_space<vmem>>, vector<16xf32>,
        %parallel_loop3A_280 = arith.index_cast %rem3A_76 : i32 to index
        %parallel_loop3A_281 = arith.index_cast %parallel_loop3A_271 : i32 to index
        %parallel_loop3A_282 = arith.constant 32 : index
        %parallel_loop3A_283 = tpu.vector_load %arg10[%parallel_loop3A_280, %parallel_loop3A_281, %parallel_loop3A_282] {strides = array<i32>} : memref<2x400x64xf32, #tpu.memory_space<vmem>>, vector<16xf32>,
        %parallel_loop3A_284 = arith.index_cast %rem3A_76 : i32 to index
        %parallel_loop3A_285 = arith.index_cast %parallel_loop3A_271 : i32 to index
        %parallel_loop3A_286 = arith.constant 48 : index
        %parallel_loop3A_287 = tpu.vector_load %arg10[%parallel_loop3A_284, %parallel_loop3A_285, %parallel_loop3A_286] {strides = array<i32>} : memref<2x400x64xf32, #tpu.memory_space<vmem>>, vector<16xf32>,
        %parallel_loop3A_288 = arith.mulf %parallel_loop3A_275, %get3A_1 : vector<16xf32>
        %parallel_loop3A_289 = arith.mulf %parallel_loop3A_279, %get3A_3 : vector<16xf32>
        %parallel_loop3A_290 = arith.addf %parallel_loop3A_288, %parallel_loop3A_289 : vector<16xf32>
        %parallel_loop3A_291 = arith.mulf %parallel_loop3A_283, %get3A_5 : vector<16xf32>
        %parallel_loop3A_292 = arith.mulf %parallel_loop3A_287, %get3A_7 : vector<16xf32>
        %parallel_loop3A_293 = arith.addf %parallel_loop3A_291, %parallel_loop3A_292 : vector<16xf32>
        %parallel_loop3A_294 = arith.addf %parallel_loop3A_290, %parallel_loop3A_293 : vector<16xf32>
        %parallel_loop3A_295 = arith.constant true
        %parallel_loop3A_296 = vector.broadcast %parallel_loop3A_295 : i1 to vector<16xi1>
        %parallel_loop3A_297 = tpu.scan <sum>, %parallel_loop3A_294 masked %parallel_loop3A_296 : vector<16xf32>, vector<16xi1> -> vector<16xf32>
        %parallel_loop3A_298 = vector.extract %parallel_loop3A_297[15] : f32 from vector<16xf32>
        %parallel_loop3A_299 = arith.constant 5 : i32
        %parallel_loop3A_300 = arith.addi %parallel_loop3A_129, %parallel_loop3A_299 : i32
        %parallel_loop3A_301 = arith.index_cast %rem3A_76 : i32 to index
        %parallel_loop3A_302 = arith.index_cast %parallel_loop3A_300 : i32 to index
        %parallel_loop3A_303 = arith.constant 0 : index
        %parallel_loop3A_304 = tpu.vector_load %arg10[%parallel_loop3A_301, %parallel_loop3A_302, %parallel_loop3A_303] {strides = array<i32>} : memref<2x400x64xf32, #tpu.memory_space<vmem>>, vector<16xf32>,
        %parallel_loop3A_305 = arith.index_cast %rem3A_76 : i32 to index
        %parallel_loop3A_306 = arith.index_cast %parallel_loop3A_300 : i32 to index
        %parallel_loop3A_307 = arith.constant 16 : index
        %parallel_loop3A_308 = tpu.vector_load %arg10[%parallel_loop3A_305, %parallel_loop3A_306, %parallel_loop3A_307] {strides = array<i32>} : memref<2x400x64xf32, #tpu.memory_space<vmem>>, vector<16xf32>,
        %parallel_loop3A_309 = arith.index_cast %rem3A_76 : i32 to index
        %parallel_loop3A_310 = arith.index_cast %parallel_loop3A_300 : i32 to index
        %parallel_loop3A_311 = arith.constant 32 : index
        %parallel_loop3A_312 = tpu.vector_load %arg10[%parallel_loop3A_309, %parallel_loop3A_310, %parallel_loop3A_311] {strides = array<i32>} : memref<2x400x64xf32, #tpu.memory_space<vmem>>, vector<16xf32>,
        %parallel_loop3A_313 = arith.index_cast %rem3A_76 : i32 to index
        %parallel_loop3A_314 = arith.index_cast %parallel_loop3A_300 : i32 to index
        %parallel_loop3A_315 = arith.constant 48 : index
        %parallel_loop3A_316 = tpu.vector_load %arg10[%parallel_loop3A_313, %parallel_loop3A_314, %parallel_loop3A_315] {strides = array<i32>} : memref<2x400x64xf32, #tpu.memory_space<vmem>>, vector<16xf32>,
        %parallel_loop3A_317 = arith.mulf %parallel_loop3A_304, %get3A_1 : vector<16xf32>
        %parallel_loop3A_318 = arith.mulf %parallel_loop3A_308, %get3A_3 : vector<16xf32>
        %parallel_loop3A_319 = arith.addf %parallel_loop3A_317, %parallel_loop3A_318 : vector<16xf32>
        %parallel_loop3A_320 = arith.mulf %parallel_loop3A_312, %get3A_5 : vector<16xf32>
        %parallel_loop3A_321 = arith.mulf %parallel_loop3A_316, %get3A_7 : vector<16xf32>
        %parallel_loop3A_322 = arith.addf %parallel_loop3A_320, %parallel_loop3A_321 : vector<16xf32>
        %parallel_loop3A_323 = arith.addf %parallel_loop3A_319, %parallel_loop3A_322 : vector<16xf32>
        %parallel_loop3A_324 = arith.constant true
        %parallel_loop3A_325 = vector.broadcast %parallel_loop3A_324 : i1 to vector<16xi1>
        %parallel_loop3A_326 = tpu.scan <sum>, %parallel_loop3A_323 masked %parallel_loop3A_325 : vector<16xf32>, vector<16xi1> -> vector<16xf32>
        %parallel_loop3A_327 = vector.extract %parallel_loop3A_326[15] : f32 from vector<16xf32>
        %parallel_loop3A_328 = arith.constant 6 : i32
        %parallel_loop3A_329 = arith.addi %parallel_loop3A_129, %parallel_loop3A_328 : i32
        %parallel_loop3A_330 = arith.index_cast %rem3A_76 : i32 to index
        %parallel_loop3A_331 = arith.index_cast %parallel_loop3A_329 : i32 to index
        %parallel_loop3A_332 = arith.constant 0 : index
        %parallel_loop3A_333 = tpu.vector_load %arg10[%parallel_loop3A_330, %parallel_loop3A_331, %parallel_loop3A_332] {strides = array<i32>} : memref<2x400x64xf32, #tpu.memory_space<vmem>>, vector<16xf32>,
        %parallel_loop3A_334 = arith.index_cast %rem3A_76 : i32 to index
        %parallel_loop3A_335 = arith.index_cast %parallel_loop3A_329 : i32 to index
        %parallel_loop3A_336 = arith.constant 16 : index
        %parallel_loop3A_337 = tpu.vector_load %arg10[%parallel_loop3A_334, %parallel_loop3A_335, %parallel_loop3A_336] {strides = array<i32>} : memref<2x400x64xf32, #tpu.memory_space<vmem>>, vector<16xf32>,
        %parallel_loop3A_338 = arith.index_cast %rem3A_76 : i32 to index
        %parallel_loop3A_339 = arith.index_cast %parallel_loop3A_329 : i32 to index
        %parallel_loop3A_340 = arith.constant 32 : index
        %parallel_loop3A_341 = tpu.vector_load %arg10[%parallel_loop3A_338, %parallel_loop3A_339, %parallel_loop3A_340] {strides = array<i32>} : memref<2x400x64xf32, #tpu.memory_space<vmem>>, vector<16xf32>,
        %parallel_loop3A_342 = arith.index_cast %rem3A_76 : i32 to index
        %parallel_loop3A_343 = arith.index_cast %parallel_loop3A_329 : i32 to index
        %parallel_loop3A_344 = arith.constant 48 : index
        %parallel_loop3A_345 = tpu.vector_load %arg10[%parallel_loop3A_342, %parallel_loop3A_343, %parallel_loop3A_344] {strides = array<i32>} : memref<2x400x64xf32, #tpu.memory_space<vmem>>, vector<16xf32>,
        %parallel_loop3A_346 = arith.mulf %parallel_loop3A_333, %get3A_1 : vector<16xf32>
        %parallel_loop3A_347 = arith.mulf %parallel_loop3A_337, %get3A_3 : vector<16xf32>
        %parallel_loop3A_348 = arith.addf %parallel_loop3A_346, %parallel_loop3A_347 : vector<16xf32>
        %parallel_loop3A_349 = arith.mulf %parallel_loop3A_341, %get3A_5 : vector<16xf32>
        %parallel_loop3A_350 = arith.mulf %parallel_loop3A_345, %get3A_7 : vector<16xf32>
        %parallel_loop3A_351 = arith.addf %parallel_loop3A_349, %parallel_loop3A_350 : vector<16xf32>
        %parallel_loop3A_352 = arith.addf %parallel_loop3A_348, %parallel_loop3A_351 : vector<16xf32>
        %parallel_loop3A_353 = arith.constant true
        %parallel_loop3A_354 = vector.broadcast %parallel_loop3A_353 : i1 to vector<16xi1>
        %parallel_loop3A_355 = tpu.scan <sum>, %parallel_loop3A_352 masked %parallel_loop3A_354 : vector<16xf32>, vector<16xi1> -> vector<16xf32>
        %parallel_loop3A_356 = vector.extract %parallel_loop3A_355[15] : f32 from vector<16xf32>
        %parallel_loop3A_357 = arith.constant 7 : i32
        %parallel_loop3A_358 = arith.addi %parallel_loop3A_129, %parallel_loop3A_357 : i32
        %parallel_loop3A_359 = arith.index_cast %rem3A_76 : i32 to index
        %parallel_loop3A_360 = arith.index_cast %parallel_loop3A_358 : i32 to index
        %parallel_loop3A_361 = arith.constant 0 : index
        %parallel_loop3A_362 = tpu.vector_load %arg10[%parallel_loop3A_359, %parallel_loop3A_360, %parallel_loop3A_361] {strides = array<i32>} : memref<2x400x64xf32, #tpu.memory_space<vmem>>, vector<16xf32>,
        %parallel_loop3A_363 = arith.index_cast %rem3A_76 : i32 to index
        %parallel_loop3A_364 = arith.index_cast %parallel_loop3A_358 : i32 to index
        %parallel_loop3A_365 = arith.constant 16 : index
        %parallel_loop3A_366 = tpu.vector_load %arg10[%parallel_loop3A_363, %parallel_loop3A_364, %parallel_loop3A_365] {strides = array<i32>} : memref<2x400x64xf32, #tpu.memory_space<vmem>>, vector<16xf32>,
        %parallel_loop3A_367 = arith.index_cast %rem3A_76 : i32 to index
        %parallel_loop3A_368 = arith.index_cast %parallel_loop3A_358 : i32 to index
        %parallel_loop3A_369 = arith.constant 32 : index
        %parallel_loop3A_370 = tpu.vector_load %arg10[%parallel_loop3A_367, %parallel_loop3A_368, %parallel_loop3A_369] {strides = array<i32>} : memref<2x400x64xf32, #tpu.memory_space<vmem>>, vector<16xf32>,
        %parallel_loop3A_371 = arith.index_cast %rem3A_76 : i32 to index
        %parallel_loop3A_372 = arith.index_cast %parallel_loop3A_358 : i32 to index
        %parallel_loop3A_373 = arith.constant 48 : index
        %parallel_loop3A_374 = tpu.vector_load %arg10[%parallel_loop3A_371, %parallel_loop3A_372, %parallel_loop3A_373] {strides = array<i32>} : memref<2x400x64xf32, #tpu.memory_space<vmem>>, vector<16xf32>,
        %parallel_loop3A_375 = arith.mulf %parallel_loop3A_362, %get3A_1 : vector<16xf32>
        %parallel_loop3A_376 = arith.mulf %parallel_loop3A_366, %get3A_3 : vector<16xf32>
        %parallel_loop3A_377 = arith.addf %parallel_loop3A_375, %parallel_loop3A_376 : vector<16xf32>
        %parallel_loop3A_378 = arith.mulf %parallel_loop3A_370, %get3A_5 : vector<16xf32>
        %parallel_loop3A_379 = arith.mulf %parallel_loop3A_374, %get3A_7 : vector<16xf32>
        %parallel_loop3A_380 = arith.addf %parallel_loop3A_378, %parallel_loop3A_379 : vector<16xf32>
        %parallel_loop3A_381 = arith.addf %parallel_loop3A_377, %parallel_loop3A_380 : vector<16xf32>
        %parallel_loop3A_382 = arith.constant true
        %parallel_loop3A_383 = vector.broadcast %parallel_loop3A_382 : i1 to vector<16xi1>
        %parallel_loop3A_384 = tpu.scan <sum>, %parallel_loop3A_381 masked %parallel_loop3A_383 : vector<16xf32>, vector<16xi1> -> vector<16xf32>
        %parallel_loop3A_385 = vector.extract %parallel_loop3A_384[15] : f32 from vector<16xf32>
        %parallel_loop3A_386 = arith.constant 0.000000e+00 : f32
        %parallel_loop3A_387 = vector.broadcast %parallel_loop3A_182 : f32 to vector<16xf32>
        %parallel_loop3A_388 = vector.broadcast %parallel_loop3A_386 : f32 to vector<16xf32>
        %parallel_loop3A_389 = arith.select %eq3A_11, %parallel_loop3A_387, %parallel_loop3A_388 : vector<16xi1>, vector<16xf32>
        %parallel_loop3A_390 = vector.broadcast %parallel_loop3A_211 : f32 to vector<16xf32>
        %parallel_loop3A_391 = arith.select %eq3A_14, %parallel_loop3A_390, %parallel_loop3A_389 : vector<16xi1>, vector<16xf32>
        %parallel_loop3A_392 = vector.broadcast %parallel_loop3A_240 : f32 to vector<16xf32>
        %parallel_loop3A_393 = arith.select %eq3A_17, %parallel_loop3A_392, %parallel_loop3A_391 : vector<16xi1>, vector<16xf32>
        %parallel_loop3A_394 = vector.broadcast %parallel_loop3A_269 : f32 to vector<16xf32>
        %parallel_loop3A_395 = arith.select %eq3A_20, %parallel_loop3A_394, %parallel_loop3A_393 : vector<16xi1>, vector<16xf32>
        %parallel_loop3A_396 = vector.broadcast %parallel_loop3A_298 : f32 to vector<16xf32>
        %parallel_loop3A_397 = arith.select %eq3A_23, %parallel_loop3A_396, %parallel_loop3A_395 : vector<16xi1>, vector<16xf32>
        %parallel_loop3A_398 = vector.broadcast %parallel_loop3A_327 : f32 to vector<16xf32>
        %parallel_loop3A_399 = arith.select %eq3A_26, %parallel_loop3A_398, %parallel_loop3A_397 : vector<16xi1>, vector<16xf32>
        %parallel_loop3A_400 = vector.broadcast %parallel_loop3A_356 : f32 to vector<16xf32>
        %parallel_loop3A_401 = arith.select %eq3A_29, %parallel_loop3A_400, %parallel_loop3A_399 : vector<16xi1>, vector<16xf32>
        %parallel_loop3A_402 = vector.broadcast %parallel_loop3A_385 : f32 to vector<16xf32>
        %parallel_loop3A_403 = arith.select %eq3A_32, %parallel_loop3A_402, %parallel_loop3A_401 : vector<16xi1>, vector<16xf32>
        %parallel_loop3A_404 = arith.constant 0.899999976 : f32
        %parallel_loop3A_405 = vector.broadcast %parallel_loop3A_404 : f32 to vector<16xf32>
        %parallel_loop3A_406 = arith.cmpf oge, %parallel_loop3A_403, %parallel_loop3A_405 : vector<16xf32>
        %parallel_loop3A_407 = arith.constant 0.000000e+00 : f32
        %parallel_loop3A_408 = vector.broadcast %parallel_loop3A_407 : f32 to vector<16xf32>
        %parallel_loop3A_409 = arith.select %parallel_loop3A_406, %parallel_loop3A_153, %parallel_loop3A_408 : vector<16xi1>, vector<16xf32>
        %parallel_loop3A_410 = arith.constant 5.000000e-01 : f32
        %parallel_loop3A_411 = vector.broadcast %parallel_loop3A_410 : f32 to vector<16xf32>
        %parallel_loop3A_412 = arith.cmpf ogt, %parallel_loop3A_409, %parallel_loop3A_411 : vector<16xf32>
        %parallel_loop3A_413 = arith.constant 1.000000e+01 : f32
        %parallel_loop3A_414 = vector.broadcast %parallel_loop3A_413 : f32 to vector<16xf32>
        %parallel_loop3A_415 = arith.mulf %parallel_loop3A_403, %parallel_loop3A_414 : vector<16xf32>
        %parallel_loop3A_416 = arith.constant -1.000000e+30 : f32
        %parallel_loop3A_417 = vector.broadcast %parallel_loop3A_416 : f32 to vector<16xf32>
        %parallel_loop3A_418 = arith.select %parallel_loop3A_412, %parallel_loop3A_415, %parallel_loop3A_417 : vector<16xi1>, vector<16xf32>
        %parallel_loop3A_419 = arith.constant true
        %parallel_loop3A_420 = vector.broadcast %parallel_loop3A_419 : i1 to vector<16xi1>
        %parallel_loop3A_421 = tpu.scan <max>, %parallel_loop3A_418 masked %parallel_loop3A_420 : vector<16xf32>, vector<16xi1> -> vector<16xf32>
        %parallel_loop3A_422 = vector.extract %parallel_loop3A_421[15] : f32 from vector<16xf32>
        %parallel_loop3A_423 = arith.maximumf %parallel_loop3A_122, %parallel_loop3A_422 : f32
        %parallel_loop3A_424 = arith.subf %parallel_loop3A_122, %parallel_loop3A_423 : f32
        %parallel_loop3A_425 = vector.broadcast %parallel_loop3A_424 : f32 to vector<16xf32>
        %parallel_loop3A_426 = math.exp %parallel_loop3A_425 : vector<16xf32>
        %parallel_loop3A_427 = vector.broadcast %parallel_loop3A_423 : f32 to vector<16xf32>
        %parallel_loop3A_428 = arith.subf %parallel_loop3A_418, %parallel_loop3A_427 : vector<16xf32>
        %parallel_loop3A_429 = math.exp %parallel_loop3A_428 : vector<16xf32>
        %parallel_loop3A_430 = arith.mulf %parallel_loop3A_429, %parallel_loop3A_409 : vector<16xf32>
        %parallel_loop3A_431 = arith.mulf %parallel_loop3A_123, %parallel_loop3A_426 : vector<16xf32>
        %parallel_loop3A_432 = arith.addf %parallel_loop3A_431, %parallel_loop3A_430 : vector<16xf32>
        %parallel_loop3A_433 = arith.mulf %parallel_loop3A_124, %parallel_loop3A_426 : vector<16xf32>
        %parallel_loop3A_434 = arith.mulf %parallel_loop3A_125, %parallel_loop3A_426 : vector<16xf32>
        %parallel_loop3A_435 = arith.mulf %parallel_loop3A_126, %parallel_loop3A_426 : vector<16xf32>
        %parallel_loop3A_436 = arith.mulf %parallel_loop3A_127, %parallel_loop3A_426 : vector<16xf32>
        %parallel_loop3A_437 = vector.extract_strided_slice %parallel_loop3A_430 {offsets = [0], sizes = [1], strides = [1]} : vector<16xf32> to vector<1xf32>
        %parallel_loop3A_438 = vector.extract %parallel_loop3A_437[0] : f32 from vector<1xf32>
        %parallel_loop3A_439 = vector.broadcast %parallel_loop3A_438 : f32 to vector<16xf32>
        %parallel_loop3A_440 = arith.mulf %parallel_loop3A_439, %parallel_loop3A_159 : vector<16xf32>
        %parallel_loop3A_441 = arith.addf %parallel_loop3A_433, %parallel_loop3A_440 : vector<16xf32>
        %parallel_loop3A_442 = vector.broadcast %parallel_loop3A_438 : f32 to vector<16xf32>
        %parallel_loop3A_443 = arith.mulf %parallel_loop3A_442, %parallel_loop3A_163 : vector<16xf32>
        %parallel_loop3A_444 = arith.addf %parallel_loop3A_434, %parallel_loop3A_443 : vector<16xf32>
        %parallel_loop3A_445 = vector.broadcast %parallel_loop3A_438 : f32 to vector<16xf32>
        %parallel_loop3A_446 = arith.mulf %parallel_loop3A_445, %parallel_loop3A_167 : vector<16xf32>
        %parallel_loop3A_447 = arith.addf %parallel_loop3A_435, %parallel_loop3A_446 : vector<16xf32>
        %parallel_loop3A_448 = vector.broadcast %parallel_loop3A_438 : f32 to vector<16xf32>
        %parallel_loop3A_449 = arith.mulf %parallel_loop3A_448, %parallel_loop3A_171 : vector<16xf32>
        %parallel_loop3A_450 = arith.addf %parallel_loop3A_436, %parallel_loop3A_449 : vector<16xf32>
        %parallel_loop3A_451 = vector.extract_strided_slice %parallel_loop3A_430 {offsets = [1], sizes = [1], strides = [1]} : vector<16xf32> to vector<1xf32>
        %parallel_loop3A_452 = vector.extract %parallel_loop3A_451[0] : f32 from vector<1xf32>
        %parallel_loop3A_453 = vector.broadcast %parallel_loop3A_452 : f32 to vector<16xf32>
        %parallel_loop3A_454 = arith.mulf %parallel_loop3A_453, %parallel_loop3A_188 : vector<16xf32>
        %parallel_loop3A_455 = arith.addf %parallel_loop3A_441, %parallel_loop3A_454 : vector<16xf32>
        %parallel_loop3A_456 = vector.broadcast %parallel_loop3A_452 : f32 to vector<16xf32>
        %parallel_loop3A_457 = arith.mulf %parallel_loop3A_456, %parallel_loop3A_192 : vector<16xf32>
        %parallel_loop3A_458 = arith.addf %parallel_loop3A_444, %parallel_loop3A_457 : vector<16xf32>
        %parallel_loop3A_459 = vector.broadcast %parallel_loop3A_452 : f32 to vector<16xf32>
        %parallel_loop3A_460 = arith.mulf %parallel_loop3A_459, %parallel_loop3A_196 : vector<16xf32>
        %parallel_loop3A_461 = arith.addf %parallel_loop3A_447, %parallel_loop3A_460 : vector<16xf32>
        %parallel_loop3A_462 = vector.broadcast %parallel_loop3A_452 : f32 to vector<16xf32>
        %parallel_loop3A_463 = arith.mulf %parallel_loop3A_462, %parallel_loop3A_200 : vector<16xf32>
        %parallel_loop3A_464 = arith.addf %parallel_loop3A_450, %parallel_loop3A_463 : vector<16xf32>
        %parallel_loop3A_465 = vector.extract_strided_slice %parallel_loop3A_430 {offsets = [2], sizes = [1], strides = [1]} : vector<16xf32> to vector<1xf32>
        %parallel_loop3A_466 = vector.extract %parallel_loop3A_465[0] : f32 from vector<1xf32>
        %parallel_loop3A_467 = vector.broadcast %parallel_loop3A_466 : f32 to vector<16xf32>
        %parallel_loop3A_468 = arith.mulf %parallel_loop3A_467, %parallel_loop3A_217 : vector<16xf32>
        %parallel_loop3A_469 = arith.addf %parallel_loop3A_455, %parallel_loop3A_468 : vector<16xf32>
        %parallel_loop3A_470 = vector.broadcast %parallel_loop3A_466 : f32 to vector<16xf32>
        %parallel_loop3A_471 = arith.mulf %parallel_loop3A_470, %parallel_loop3A_221 : vector<16xf32>
        %parallel_loop3A_472 = arith.addf %parallel_loop3A_458, %parallel_loop3A_471 : vector<16xf32>
        %parallel_loop3A_473 = vector.broadcast %parallel_loop3A_466 : f32 to vector<16xf32>
        %parallel_loop3A_474 = arith.mulf %parallel_loop3A_473, %parallel_loop3A_225 : vector<16xf32>
        %parallel_loop3A_475 = arith.addf %parallel_loop3A_461, %parallel_loop3A_474 : vector<16xf32>
        %parallel_loop3A_476 = vector.broadcast %parallel_loop3A_466 : f32 to vector<16xf32>
        %parallel_loop3A_477 = arith.mulf %parallel_loop3A_476, %parallel_loop3A_229 : vector<16xf32>
        %parallel_loop3A_478 = arith.addf %parallel_loop3A_464, %parallel_loop3A_477 : vector<16xf32>
        %parallel_loop3A_479 = vector.extract_strided_slice %parallel_loop3A_430 {offsets = [3], sizes = [1], strides = [1]} : vector<16xf32> to vector<1xf32>
        %parallel_loop3A_480 = vector.extract %parallel_loop3A_479[0] : f32 from vector<1xf32>
        %parallel_loop3A_481 = vector.broadcast %parallel_loop3A_480 : f32 to vector<16xf32>
        %parallel_loop3A_482 = arith.mulf %parallel_loop3A_481, %parallel_loop3A_246 : vector<16xf32>
        %parallel_loop3A_483 = arith.addf %parallel_loop3A_469, %parallel_loop3A_482 : vector<16xf32>
        %parallel_loop3A_484 = vector.broadcast %parallel_loop3A_480 : f32 to vector<16xf32>
        %parallel_loop3A_485 = arith.mulf %parallel_loop3A_484, %parallel_loop3A_250 : vector<16xf32>
        %parallel_loop3A_486 = arith.addf %parallel_loop3A_472, %parallel_loop3A_485 : vector<16xf32>
        %parallel_loop3A_487 = vector.broadcast %parallel_loop3A_480 : f32 to vector<16xf32>
        %parallel_loop3A_488 = arith.mulf %parallel_loop3A_487, %parallel_loop3A_254 : vector<16xf32>
        %parallel_loop3A_489 = arith.addf %parallel_loop3A_475, %parallel_loop3A_488 : vector<16xf32>
        %parallel_loop3A_490 = vector.broadcast %parallel_loop3A_480 : f32 to vector<16xf32>
        %parallel_loop3A_491 = arith.mulf %parallel_loop3A_490, %parallel_loop3A_258 : vector<16xf32>
        %parallel_loop3A_492 = arith.addf %parallel_loop3A_478, %parallel_loop3A_491 : vector<16xf32>
        %parallel_loop3A_493 = vector.extract_strided_slice %parallel_loop3A_430 {offsets = [4], sizes = [1], strides = [1]} : vector<16xf32> to vector<1xf32>
        %parallel_loop3A_494 = vector.extract %parallel_loop3A_493[0] : f32 from vector<1xf32>
        %parallel_loop3A_495 = vector.broadcast %parallel_loop3A_494 : f32 to vector<16xf32>
        %parallel_loop3A_496 = arith.mulf %parallel_loop3A_495, %parallel_loop3A_275 : vector<16xf32>
        %parallel_loop3A_497 = arith.addf %parallel_loop3A_483, %parallel_loop3A_496 : vector<16xf32>
        %parallel_loop3A_498 = vector.broadcast %parallel_loop3A_494 : f32 to vector<16xf32>
        %parallel_loop3A_499 = arith.mulf %parallel_loop3A_498, %parallel_loop3A_279 : vector<16xf32>
        %parallel_loop3A_500 = arith.addf %parallel_loop3A_486, %parallel_loop3A_499 : vector<16xf32>
        %parallel_loop3A_501 = vector.broadcast %parallel_loop3A_494 : f32 to vector<16xf32>
        %parallel_loop3A_502 = arith.mulf %parallel_loop3A_501, %parallel_loop3A_283 : vector<16xf32>
        %parallel_loop3A_503 = arith.addf %parallel_loop3A_489, %parallel_loop3A_502 : vector<16xf32>
        %parallel_loop3A_504 = vector.broadcast %parallel_loop3A_494 : f32 to vector<16xf32>
        %parallel_loop3A_505 = arith.mulf %parallel_loop3A_504, %parallel_loop3A_287 : vector<16xf32>
        %parallel_loop3A_506 = arith.addf %parallel_loop3A_492, %parallel_loop3A_505 : vector<16xf32>
        %parallel_loop3A_507 = vector.extract_strided_slice %parallel_loop3A_430 {offsets = [5], sizes = [1], strides = [1]} : vector<16xf32> to vector<1xf32>
        %parallel_loop3A_508 = vector.extract %parallel_loop3A_507[0] : f32 from vector<1xf32>
        %parallel_loop3A_509 = vector.broadcast %parallel_loop3A_508 : f32 to vector<16xf32>
        %parallel_loop3A_510 = arith.mulf %parallel_loop3A_509, %parallel_loop3A_304 : vector<16xf32>
        %parallel_loop3A_511 = arith.addf %parallel_loop3A_497, %parallel_loop3A_510 : vector<16xf32>
        %parallel_loop3A_512 = vector.broadcast %parallel_loop3A_508 : f32 to vector<16xf32>
        %parallel_loop3A_513 = arith.mulf %parallel_loop3A_512, %parallel_loop3A_308 : vector<16xf32>
        %parallel_loop3A_514 = arith.addf %parallel_loop3A_500, %parallel_loop3A_513 : vector<16xf32>
        %parallel_loop3A_515 = vector.broadcast %parallel_loop3A_508 : f32 to vector<16xf32>
        %parallel_loop3A_516 = arith.mulf %parallel_loop3A_515, %parallel_loop3A_312 : vector<16xf32>
        %parallel_loop3A_517 = arith.addf %parallel_loop3A_503, %parallel_loop3A_516 : vector<16xf32>
        %parallel_loop3A_518 = vector.broadcast %parallel_loop3A_508 : f32 to vector<16xf32>
        %parallel_loop3A_519 = arith.mulf %parallel_loop3A_518, %parallel_loop3A_316 : vector<16xf32>
        %parallel_loop3A_520 = arith.addf %parallel_loop3A_506, %parallel_loop3A_519 : vector<16xf32>
        %parallel_loop3A_521 = vector.extract_strided_slice %parallel_loop3A_430 {offsets = [6], sizes = [1], strides = [1]} : vector<16xf32> to vector<1xf32>
        %parallel_loop3A_522 = vector.extract %parallel_loop3A_521[0] : f32 from vector<1xf32>
        %parallel_loop3A_523 = vector.broadcast %parallel_loop3A_522 : f32 to vector<16xf32>
        %parallel_loop3A_524 = arith.mulf %parallel_loop3A_523, %parallel_loop3A_333 : vector<16xf32>
        %parallel_loop3A_525 = arith.addf %parallel_loop3A_511, %parallel_loop3A_524 : vector<16xf32>
        %parallel_loop3A_526 = vector.broadcast %parallel_loop3A_522 : f32 to vector<16xf32>
        %parallel_loop3A_527 = arith.mulf %parallel_loop3A_526, %parallel_loop3A_337 : vector<16xf32>
        %parallel_loop3A_528 = arith.addf %parallel_loop3A_514, %parallel_loop3A_527 : vector<16xf32>
        %parallel_loop3A_529 = vector.broadcast %parallel_loop3A_522 : f32 to vector<16xf32>
        %parallel_loop3A_530 = arith.mulf %parallel_loop3A_529, %parallel_loop3A_341 : vector<16xf32>
        %parallel_loop3A_531 = arith.addf %parallel_loop3A_517, %parallel_loop3A_530 : vector<16xf32>
        %parallel_loop3A_532 = vector.broadcast %parallel_loop3A_522 : f32 to vector<16xf32>
        %parallel_loop3A_533 = arith.mulf %parallel_loop3A_532, %parallel_loop3A_345 : vector<16xf32>
        %parallel_loop3A_534 = arith.addf %parallel_loop3A_520, %parallel_loop3A_533 : vector<16xf32>
        %parallel_loop3A_535 = vector.extract_strided_slice %parallel_loop3A_430 {offsets = [7], sizes = [1], strides = [1]} : vector<16xf32> to vector<1xf32>
        %parallel_loop3A_536 = vector.extract %parallel_loop3A_535[0] : f32 from vector<1xf32>
        %parallel_loop3A_537 = vector.broadcast %parallel_loop3A_536 : f32 to vector<16xf32>
        %parallel_loop3A_538 = arith.mulf %parallel_loop3A_537, %parallel_loop3A_362 : vector<16xf32>
        %parallel_loop3A_539 = arith.addf %parallel_loop3A_525, %parallel_loop3A_538 : vector<16xf32>
        %parallel_loop3A_540 = vector.broadcast %parallel_loop3A_536 : f32 to vector<16xf32>
        %parallel_loop3A_541 = arith.mulf %parallel_loop3A_540, %parallel_loop3A_366 : vector<16xf32>
        %parallel_loop3A_542 = arith.addf %parallel_loop3A_528, %parallel_loop3A_541 : vector<16xf32>
        %parallel_loop3A_543 = vector.broadcast %parallel_loop3A_536 : f32 to vector<16xf32>
        %parallel_loop3A_544 = arith.mulf %parallel_loop3A_543, %parallel_loop3A_370 : vector<16xf32>
        %parallel_loop3A_545 = arith.addf %parallel_loop3A_531, %parallel_loop3A_544 : vector<16xf32>
        %parallel_loop3A_546 = vector.broadcast %parallel_loop3A_536 : f32 to vector<16xf32>
        %parallel_loop3A_547 = arith.mulf %parallel_loop3A_546, %parallel_loop3A_374 : vector<16xf32>
        %parallel_loop3A_548 = arith.addf %parallel_loop3A_534, %parallel_loop3A_547 : vector<16xf32>
        scf.yield %parallel_loop3A_423, %parallel_loop3A_432, %parallel_loop3A_539, %parallel_loop3A_542, %parallel_loop3A_545, %parallel_loop3A_548 : f32, vector<16xf32>, vector<16xf32>, vector<16xf32>, vector<16xf32>, vector<16xf32>
      } {sc.loop_unroll_factor = 1 : i64, sc.parallel_access}
      scf.yield %parallel_loop3A_120#0, %parallel_loop3A_120#1, %parallel_loop3A_120#2, %parallel_loop3A_120#3, %parallel_loop3A_120#4, %parallel_loop3A_120#5 : f32, vector<16xf32>, vector<16xf32>, vector<16xf32>, vector<16xf32>, vector<16xf32>
    }
    %while3A_55 = arith.constant 1 : i32
    %while3A_56:6 = scf.for %while3A_69 = %while3A_52 to %while3A_48 step %while3A_55 iter_args(%while3A_70 = %while3A_54#0, %while3A_71 = %while3A_54#1, %while3A_72 = %while3A_54#2, %while3A_73 = %while3A_54#3, %while3A_74 = %while3A_54#4, %while3A_75 = %while3A_54#5) -> (f32, vector<16xf32>, vector<16xf32>, vector<16xf32>, vector<16xf32>, vector<16xf32>)  : i32 {
      %rem3A = arith.constant 2 : i32
      %rem3A_76 = arith.remsi %while3A_69, %rem3A : i32
      %add3A_77 = arith.addi %add3A_38, %while3A_69 : i32
      %add3A_78 = arith.constant 1 : i32
      %add3A_79 = arith.addi %while3A_69, %add3A_78 : i32
      %lt3A_80 = arith.cmpi slt, %add3A_79, %add3A_42 : i32
      %convert_element_type3A_81 = arith.extui %lt3A_80 : i1 to i32
      %cond3A_82 = arith.constant 0 : i32
      %cond3A_83 = arith.cmpi ne, %convert_element_type3A_81, %cond3A_82 : i32
      scf.if %cond3A_83 {
        %sub3A = arith.constant 1 : i32
        %sub3A_121 = arith.subi %sub3A, %rem3A_76 : i32
        %add3A_122 = arith.constant 1 : i32
        %add3A_123 = arith.addi %add3A_77, %add3A_122 : i32
        %mul3A_124 = arith.constant 400 : i32
        %mul3A_125 = arith.muli %add3A_123, %mul3A_124 : i32
        %dma_start3A = arith.constant 0 : i32
        %dma_start3A_126 = arith.constant 0 : i32
        %dma_start3A_127 = arith.constant 0 : i32
        %dma_start3A_128 = tpu.memref_slice %arg10[%sub3A_121, %dma_start3A_126, %dma_start3A_127] : memref<2x400x64xf32, #tpu.memory_space<vmem>> -> memref<1x400x64xf32, #tpu.memory_space<vmem>>
        %dma_start3A_129 = tpu.memref_squeeze %dma_start3A_128 : memref<1x400x64xf32, #tpu.memory_space<vmem>> -> memref<400x64xf32, #tpu.memory_space<vmem>>
        %dma_start3A_130 = arith.constant 0 : i32
        %dma_start3A_131 = tpu.memref_slice %arg4[%mul3A_125, %dma_start3A_130] : memref<1000000x64xf32, #tpu.memory_space<hbm>> -> memref<400x64xf32, #tpu.memory_space<hbm>>
        %dma_start3A_132 = tpu.memref_slice %arg14[%sub3A_121, %dma_start3A] : memref<2x3x!tpu.dma_semaphore, #tpu.memory_space<semaphore_mem>> -> memref<1x1x!tpu.dma_semaphore, #tpu.memory_space<semaphore_mem>>
        %dma_start3A_133 = tpu.memref_squeeze %dma_start3A_132 : memref<1x1x!tpu.dma_semaphore, #tpu.memory_space<semaphore_mem>> -> memref<!tpu.dma_semaphore, #tpu.memory_space<semaphore_mem>>
        %dma_start3A_134 = arith.constant 0 : i32
        %dma_start3A_135 = arith.constant 0 : i32
        %dma_start3A_136 = tpu.memref_slice %arg10[%sub3A_121, %dma_start3A_134, %dma_start3A_135] : memref<2x400x64xf32, #tpu.memory_space<vmem>> -> memref<1x400x64xf32, #tpu.memory_space<vmem>>
        %dma_start3A_137 = tpu.memref_squeeze %dma_start3A_136 : memref<1x400x64xf32, #tpu.memory_space<vmem>> -> memref<400x64xf32, #tpu.memory_space<vmem>>
        %dma_start3A_138 = arith.constant 0 : i32
        %dma_start3A_139 = tpu.memref_slice %arg4[%mul3A_125, %dma_start3A_138] : memref<1000000x64xf32, #tpu.memory_space<hbm>> -> memref<400x64xf32, #tpu.memory_space<hbm>>
        tpu.enqueue_dma source(%dma_start3A_139 : memref<400x64xf32, #tpu.memory_space<hbm>>) target(%dma_start3A_137 : memref<400x64xf32, #tpu.memory_space<vmem>>) target_semaphore(%dma_start3A_133 : memref<!tpu.dma_semaphore, #tpu.memory_space<semaphore_mem>>)
        %mul3A_140 = arith.constant 400 : i32
        %mul3A_141 = arith.muli %sub3A_121, %mul3A_140 : i32
        %dma_start3A_142 = arith.constant 1 : i32
        %dma_start3A_143 = tpu.memref_slice %arg11[%mul3A_141] : memref<816xf32, #tpu.memory_space<vmem>> -> memref<400xf32, #tpu.memory_space<vmem>>
        %dma_start3A_144 = tpu.memref_slice %arg5[%mul3A_125] : memref<1000000xf32, #tpu.memory_space<hbm>> -> memref<400xf32, #tpu.memory_space<hbm>>
        %dma_start3A_145 = tpu.memref_slice %arg14[%sub3A_121, %dma_start3A_142] : memref<2x3x!tpu.dma_semaphore, #tpu.memory_space<semaphore_mem>> -> memref<1x1x!tpu.dma_semaphore, #tpu.memory_space<semaphore_mem>>
        %dma_start3A_146 = tpu.memref_squeeze %dma_start3A_145 : memref<1x1x!tpu.dma_semaphore, #tpu.memory_space<semaphore_mem>> -> memref<!tpu.dma_semaphore, #tpu.memory_space<semaphore_mem>>
        %dma_start3A_147 = tpu.memref_slice %arg11[%mul3A_141] : memref<816xf32, #tpu.memory_space<vmem>> -> memref<400xf32, #tpu.memory_space<vmem>>
        %dma_start3A_148 = tpu.memref_slice %arg5[%mul3A_125] : memref<1000000xf32, #tpu.memory_space<hbm>> -> memref<400xf32, #tpu.memory_space<hbm>>
        tpu.enqueue_dma source(%dma_start3A_148 : memref<400xf32, #tpu.memory_space<hbm>>) target(%dma_start3A_147 : memref<400xf32, #tpu.memory_space<vmem>>) target_semaphore(%dma_start3A_146 : memref<!tpu.dma_semaphore, #tpu.memory_space<semaphore_mem>>)
        %mul3A_149 = arith.constant 400 : i32
        %mul3A_150 = arith.muli %sub3A_121, %mul3A_149 : i32
        %dma_start3A_151 = arith.constant 2 : i32
        %dma_start3A_152 = tpu.memref_slice %arg12[%mul3A_150] : memref<816xf32, #tpu.memory_space<vmem>> -> memref<400xf32, #tpu.memory_space<vmem>>
        %dma_start3A_153 = tpu.memref_slice %arg6[%mul3A_125] : memref<1000000xf32, #tpu.memory_space<hbm>> -> memref<400xf32, #tpu.memory_space<hbm>>
        %dma_start3A_154 = tpu.memref_slice %arg14[%sub3A_121, %dma_start3A_151] : memref<2x3x!tpu.dma_semaphore, #tpu.memory_space<semaphore_mem>> -> memref<1x1x!tpu.dma_semaphore, #tpu.memory_space<semaphore_mem>>
        %dma_start3A_155 = tpu.memref_squeeze %dma_start3A_154 : memref<1x1x!tpu.dma_semaphore, #tpu.memory_space<semaphore_mem>> -> memref<!tpu.dma_semaphore, #tpu.memory_space<semaphore_mem>>
        %dma_start3A_156 = tpu.memref_slice %arg12[%mul3A_150] : memref<816xf32, #tpu.memory_space<vmem>> -> memref<400xf32, #tpu.memory_space<vmem>>
        %dma_start3A_157 = tpu.memref_slice %arg6[%mul3A_125] : memref<1000000xf32, #tpu.memory_space<hbm>> -> memref<400xf32, #tpu.memory_space<hbm>>
        tpu.enqueue_dma source(%dma_start3A_157 : memref<400xf32, #tpu.memory_space<hbm>>) target(%dma_start3A_156 : memref<400xf32, #tpu.memory_space<vmem>>) target_semaphore(%dma_start3A_155 : memref<!tpu.dma_semaphore, #tpu.memory_space<semaphore_mem>>)
      } else {
      }
      %mul3A_84 = arith.constant 400 : i32
      %mul3A_85 = arith.muli %add3A_77, %mul3A_84 : i32
      %dma_wait3A = arith.constant 0 : i32
      %dma_wait3A_86 = arith.constant 0 : i32
      %dma_wait3A_87 = arith.constant 0 : i32
      %dma_wait3A_88 = tpu.memref_slice %arg10[%rem3A_76, %dma_wait3A_86, %dma_wait3A_87] : memref<2x400x64xf32, #tpu.memory_space<vmem>> -> memref<1x400x64xf32, #tpu.memory_space<vmem>>
      %dma_wait3A_89 = tpu.memref_squeeze %dma_wait3A_88 : memref<1x400x64xf32, #tpu.memory_space<vmem>> -> memref<400x64xf32, #tpu.memory_space<vmem>>
      %dma_wait3A_90 = arith.constant 0 : i32
      %dma_wait3A_91 = tpu.memref_slice %arg4[%mul3A_85, %dma_wait3A_90] : memref<1000000x64xf32, #tpu.memory_space<hbm>> -> memref<400x64xf32, #tpu.memory_space<hbm>>
      %dma_wait3A_92 = tpu.memref_slice %arg14[%rem3A_76, %dma_wait3A] : memref<2x3x!tpu.dma_semaphore, #tpu.memory_space<semaphore_mem>> -> memref<1x1x!tpu.dma_semaphore, #tpu.memory_space<semaphore_mem>>
      %dma_wait3A_93 = tpu.memref_squeeze %dma_wait3A_92 : memref<1x1x!tpu.dma_semaphore, #tpu.memory_space<semaphore_mem>> -> memref<!tpu.dma_semaphore, #tpu.memory_space<semaphore_mem>>
      %dma_wait3A_94 = arith.constant 0 : i32
      %dma_wait3A_95 = arith.constant 0 : i32
      %dma_wait3A_96 = tpu.memref_slice %arg10[%rem3A_76, %dma_wait3A_94, %dma_wait3A_95] : memref<2x400x64xf32, #tpu.memory_space<vmem>> -> memref<1x400x64xf32, #tpu.memory_space<vmem>>
      %dma_wait3A_97 = tpu.memref_squeeze %dma_wait3A_96 : memref<1x400x64xf32, #tpu.memory_space<vmem>> -> memref<400x64xf32, #tpu.memory_space<vmem>>
      %dma_wait3A_98 = arith.constant 0 : i32
      %dma_wait3A_99 = tpu.memref_slice %arg4[%mul3A_85, %dma_wait3A_98] : memref<1000000x64xf32, #tpu.memory_space<hbm>> -> memref<400x64xf32, #tpu.memory_space<hbm>>
      tpu.wait_dma2 semaphore(%dma_wait3A_93 : memref<!tpu.dma_semaphore, #tpu.memory_space<semaphore_mem>>) src(%dma_wait3A_99 : memref<400x64xf32, #tpu.memory_space<hbm>>) dst(%dma_wait3A_97 : memref<400x64xf32, #tpu.memory_space<vmem>>)
      %mul3A_100 = arith.constant 400 : i32
      %mul3A_101 = arith.muli %rem3A_76, %mul3A_100 : i32
      %dma_wait3A_102 = arith.constant 1 : i32
      %dma_wait3A_103 = tpu.memref_slice %arg11[%mul3A_101] : memref<816xf32, #tpu.memory_space<vmem>> -> memref<400xf32, #tpu.memory_space<vmem>>
      %dma_wait3A_104 = tpu.memref_slice %arg5[%mul3A_85] : memref<1000000xf32, #tpu.memory_space<hbm>> -> memref<400xf32, #tpu.memory_space<hbm>>
      %dma_wait3A_105 = tpu.memref_slice %arg14[%rem3A_76, %dma_wait3A_102] : memref<2x3x!tpu.dma_semaphore, #tpu.memory_space<semaphore_mem>> -> memref<1x1x!tpu.dma_semaphore, #tpu.memory_space<semaphore_mem>>
      %dma_wait3A_106 = tpu.memref_squeeze %dma_wait3A_105 : memref<1x1x!tpu.dma_semaphore, #tpu.memory_space<semaphore_mem>> -> memref<!tpu.dma_semaphore, #tpu.memory_space<semaphore_mem>>
      %dma_wait3A_107 = tpu.memref_slice %arg11[%mul3A_101] : memref<816xf32, #tpu.memory_space<vmem>> -> memref<400xf32, #tpu.memory_space<vmem>>
      %dma_wait3A_108 = tpu.memref_slice %arg5[%mul3A_85] : memref<1000000xf32, #tpu.memory_space<hbm>> -> memref<400xf32, #tpu.memory_space<hbm>>
      tpu.wait_dma2 semaphore(%dma_wait3A_106 : memref<!tpu.dma_semaphore, #tpu.memory_space<semaphore_mem>>) src(%dma_wait3A_108 : memref<400xf32, #tpu.memory_space<hbm>>) dst(%dma_wait3A_107 : memref<400xf32, #tpu.memory_space<vmem>>)
      %mul3A_109 = arith.constant 400 : i32
      %mul3A_110 = arith.muli %rem3A_76, %mul3A_109 : i32
      %dma_wait3A_111 = arith.constant 2 : i32
      %dma_wait3A_112 = tpu.memref_slice %arg12[%mul3A_110] : memref<816xf32, #tpu.memory_space<vmem>> -> memref<400xf32, #tpu.memory_space<vmem>>
      %dma_wait3A_113 = tpu.memref_slice %arg6[%mul3A_85] : memref<1000000xf32, #tpu.memory_space<hbm>> -> memref<400xf32, #tpu.memory_space<hbm>>
      %dma_wait3A_114 = tpu.memref_slice %arg14[%rem3A_76, %dma_wait3A_111] : memref<2x3x!tpu.dma_semaphore, #tpu.memory_space<semaphore_mem>> -> memref<1x1x!tpu.dma_semaphore, #tpu.memory_space<semaphore_mem>>
      %dma_wait3A_115 = tpu.memref_squeeze %dma_wait3A_114 : memref<1x1x!tpu.dma_semaphore, #tpu.memory_space<semaphore_mem>> -> memref<!tpu.dma_semaphore, #tpu.memory_space<semaphore_mem>>
      %dma_wait3A_116 = tpu.memref_slice %arg12[%mul3A_110] : memref<816xf32, #tpu.memory_space<vmem>> -> memref<400xf32, #tpu.memory_space<vmem>>
      %dma_wait3A_117 = tpu.memref_slice %arg6[%mul3A_85] : memref<1000000xf32, #tpu.memory_space<hbm>> -> memref<400xf32, #tpu.memory_space<hbm>>
      tpu.wait_dma2 semaphore(%dma_wait3A_115 : memref<!tpu.dma_semaphore, #tpu.memory_space<semaphore_mem>>) src(%dma_wait3A_117 : memref<400xf32, #tpu.memory_space<hbm>>) dst(%dma_wait3A_116 : memref<400xf32, #tpu.memory_space<vmem>>)
      %parallel_loop3A = arith.constant 0 : i32
      %parallel_loop3A_118 = arith.constant 50 : i32
      %parallel_loop3A_119 = arith.constant 1 : i32
      %parallel_loop3A_120:6 = scf.for %parallel_loop3A_121 = %parallel_loop3A to %parallel_loop3A_118 step %parallel_loop3A_119 iter_args(%parallel_loop3A_122 = %while3A_70, %parallel_loop3A_123 = %while3A_71, %parallel_loop3A_124 = %while3A_72, %parallel_loop3A_125 = %while3A_73, %parallel_loop3A_126 = %while3A_74, %parallel_loop3A_127 = %while3A_75) -> (f32, vector<16xf32>, vector<16xf32>, vector<16xf32>, vector<16xf32>, vector<16xf32>)  : i32 {
        %parallel_loop3A_128 = arith.constant 8 : i32
        %parallel_loop3A_129 = arith.muli %parallel_loop3A_121, %parallel_loop3A_128 : i32
        %parallel_loop3A_130 = arith.constant 400 : i32
        %parallel_loop3A_131 = arith.muli %rem3A_76, %parallel_loop3A_130 : i32
        %parallel_loop3A_132 = arith.addi %parallel_loop3A_131, %parallel_loop3A_129 : i32
        %parallel_loop3A_133 = arith.index_cast %parallel_loop3A_132 : i32 to index
        %parallel_loop3A_134 = tpu.vector_load %arg11[%parallel_loop3A_133] {strides = array<i32>} : memref<816xf32, #tpu.memory_space<vmem>>, vector<16xf32>,
        %parallel_loop3A_135 = arith.constant 400 : i32
        %parallel_loop3A_136 = arith.muli %rem3A_76, %parallel_loop3A_135 : i32
        %parallel_loop3A_137 = arith.addi %parallel_loop3A_136, %parallel_loop3A_129 : i32
        %parallel_loop3A_138 = arith.index_cast %parallel_loop3A_137 : i32 to index
        %parallel_loop3A_139 = tpu.vector_load %arg12[%parallel_loop3A_138] {strides = array<i32>} : memref<816xf32, #tpu.memory_space<vmem>>, vector<16xf32>,
        %parallel_loop3A_140 = arith.subf %get3A_9, %parallel_loop3A_134 : vector<16xf32>
        %parallel_loop3A_141 = math.absf %parallel_loop3A_140 : vector<16xf32>
        %parallel_loop3A_142 = arith.constant 1.000000e+00 : f32
        %parallel_loop3A_143 = vector.broadcast %parallel_loop3A_142 : f32 to vector<16xf32>
        %parallel_loop3A_144 = arith.cmpf ole, %parallel_loop3A_141, %parallel_loop3A_143 : vector<16xf32>
        %parallel_loop3A_145 = arith.constant 5.000000e-01 : f32
        %parallel_loop3A_146 = vector.broadcast %parallel_loop3A_145 : f32 to vector<16xf32>
        %parallel_loop3A_147 = arith.cmpf ogt, %parallel_loop3A_139, %parallel_loop3A_146 : vector<16xf32>
        %parallel_loop3A_148 = arith.andi %parallel_loop3A_144, %parallel_loop3A_147 : vector<16xi1>
        %parallel_loop3A_149 = arith.constant 1.000000e+00 : f32
        %parallel_loop3A_150 = arith.constant 0.000000e+00 : f32
        %parallel_loop3A_151 = vector.broadcast %parallel_loop3A_149 : f32 to vector<16xf32>
        %parallel_loop3A_152 = vector.broadcast %parallel_loop3A_150 : f32 to vector<16xf32>
        %parallel_loop3A_153 = arith.select %parallel_loop3A_148, %parallel_loop3A_151, %parallel_loop3A_152 : vector<16xi1>, vector<16xf32>
        %parallel_loop3A_154 = arith.constant 0 : i32
        %parallel_loop3A_155 = arith.addi %parallel_loop3A_129, %parallel_loop3A_154 : i32
        %parallel_loop3A_156 = arith.index_cast %rem3A_76 : i32 to index
        %parallel_loop3A_157 = arith.index_cast %parallel_loop3A_155 : i32 to index
        %parallel_loop3A_158 = arith.constant 0 : index
        %parallel_loop3A_159 = tpu.vector_load %arg10[%parallel_loop3A_156, %parallel_loop3A_157, %parallel_loop3A_158] {strides = array<i32>} : memref<2x400x64xf32, #tpu.memory_space<vmem>>, vector<16xf32>,
        %parallel_loop3A_160 = arith.index_cast %rem3A_76 : i32 to index
        %parallel_loop3A_161 = arith.index_cast %parallel_loop3A_155 : i32 to index
        %parallel_loop3A_162 = arith.constant 16 : index
        %parallel_loop3A_163 = tpu.vector_load %arg10[%parallel_loop3A_160, %parallel_loop3A_161, %parallel_loop3A_162] {strides = array<i32>} : memref<2x400x64xf32, #tpu.memory_space<vmem>>, vector<16xf32>,
        %parallel_loop3A_164 = arith.index_cast %rem3A_76 : i32 to index
        %parallel_loop3A_165 = arith.index_cast %parallel_loop3A_155 : i32 to index
        %parallel_loop3A_166 = arith.constant 32 : index
        %parallel_loop3A_167 = tpu.vector_load %arg10[%parallel_loop3A_164, %parallel_loop3A_165, %parallel_loop3A_166] {strides = array<i32>} : memref<2x400x64xf32, #tpu.memory_space<vmem>>, vector<16xf32>,
        %parallel_loop3A_168 = arith.index_cast %rem3A_76 : i32 to index
        %parallel_loop3A_169 = arith.index_cast %parallel_loop3A_155 : i32 to index
        %parallel_loop3A_170 = arith.constant 48 : index
        %parallel_loop3A_171 = tpu.vector_load %arg10[%parallel_loop3A_168, %parallel_loop3A_169, %parallel_loop3A_170] {strides = array<i32>} : memref<2x400x64xf32, #tpu.memory_space<vmem>>, vector<16xf32>,
        %parallel_loop3A_172 = arith.mulf %parallel_loop3A_159, %get3A_1 : vector<16xf32>
        %parallel_loop3A_173 = arith.mulf %parallel_loop3A_163, %get3A_3 : vector<16xf32>
        %parallel_loop3A_174 = arith.addf %parallel_loop3A_172, %parallel_loop3A_173 : vector<16xf32>
        %parallel_loop3A_175 = arith.mulf %parallel_loop3A_167, %get3A_5 : vector<16xf32>
        %parallel_loop3A_176 = arith.mulf %parallel_loop3A_171, %get3A_7 : vector<16xf32>
        %parallel_loop3A_177 = arith.addf %parallel_loop3A_175, %parallel_loop3A_176 : vector<16xf32>
        %parallel_loop3A_178 = arith.addf %parallel_loop3A_174, %parallel_loop3A_177 : vector<16xf32>
        %parallel_loop3A_179 = arith.constant true
        %parallel_loop3A_180 = vector.broadcast %parallel_loop3A_179 : i1 to vector<16xi1>
        %parallel_loop3A_181 = tpu.scan <sum>, %parallel_loop3A_178 masked %parallel_loop3A_180 : vector<16xf32>, vector<16xi1> -> vector<16xf32>
        %parallel_loop3A_182 = vector.extract %parallel_loop3A_181[15] : f32 from vector<16xf32>
        %parallel_loop3A_183 = arith.constant 1 : i32
        %parallel_loop3A_184 = arith.addi %parallel_loop3A_129, %parallel_loop3A_183 : i32
        %parallel_loop3A_185 = arith.index_cast %rem3A_76 : i32 to index
        %parallel_loop3A_186 = arith.index_cast %parallel_loop3A_184 : i32 to index
        %parallel_loop3A_187 = arith.constant 0 : index
        %parallel_loop3A_188 = tpu.vector_load %arg10[%parallel_loop3A_185, %parallel_loop3A_186, %parallel_loop3A_187] {strides = array<i32>} : memref<2x400x64xf32, #tpu.memory_space<vmem>>, vector<16xf32>,
        %parallel_loop3A_189 = arith.index_cast %rem3A_76 : i32 to index
        %parallel_loop3A_190 = arith.index_cast %parallel_loop3A_184 : i32 to index
        %parallel_loop3A_191 = arith.constant 16 : index
        %parallel_loop3A_192 = tpu.vector_load %arg10[%parallel_loop3A_189, %parallel_loop3A_190, %parallel_loop3A_191] {strides = array<i32>} : memref<2x400x64xf32, #tpu.memory_space<vmem>>, vector<16xf32>,
        %parallel_loop3A_193 = arith.index_cast %rem3A_76 : i32 to index
        %parallel_loop3A_194 = arith.index_cast %parallel_loop3A_184 : i32 to index
        %parallel_loop3A_195 = arith.constant 32 : index
        %parallel_loop3A_196 = tpu.vector_load %arg10[%parallel_loop3A_193, %parallel_loop3A_194, %parallel_loop3A_195] {strides = array<i32>} : memref<2x400x64xf32, #tpu.memory_space<vmem>>, vector<16xf32>,
        %parallel_loop3A_197 = arith.index_cast %rem3A_76 : i32 to index
        %parallel_loop3A_198 = arith.index_cast %parallel_loop3A_184 : i32 to index
        %parallel_loop3A_199 = arith.constant 48 : index
        %parallel_loop3A_200 = tpu.vector_load %arg10[%parallel_loop3A_197, %parallel_loop3A_198, %parallel_loop3A_199] {strides = array<i32>} : memref<2x400x64xf32, #tpu.memory_space<vmem>>, vector<16xf32>,
        %parallel_loop3A_201 = arith.mulf %parallel_loop3A_188, %get3A_1 : vector<16xf32>
        %parallel_loop3A_202 = arith.mulf %parallel_loop3A_192, %get3A_3 : vector<16xf32>
        %parallel_loop3A_203 = arith.addf %parallel_loop3A_201, %parallel_loop3A_202 : vector<16xf32>
        %parallel_loop3A_204 = arith.mulf %parallel_loop3A_196, %get3A_5 : vector<16xf32>
        %parallel_loop3A_205 = arith.mulf %parallel_loop3A_200, %get3A_7 : vector<16xf32>
        %parallel_loop3A_206 = arith.addf %parallel_loop3A_204, %parallel_loop3A_205 : vector<16xf32>
        %parallel_loop3A_207 = arith.addf %parallel_loop3A_203, %parallel_loop3A_206 : vector<16xf32>
        %parallel_loop3A_208 = arith.constant true
        %parallel_loop3A_209 = vector.broadcast %parallel_loop3A_208 : i1 to vector<16xi1>
        %parallel_loop3A_210 = tpu.scan <sum>, %parallel_loop3A_207 masked %parallel_loop3A_209 : vector<16xf32>, vector<16xi1> -> vector<16xf32>
        %parallel_loop3A_211 = vector.extract %parallel_loop3A_210[15] : f32 from vector<16xf32>
        %parallel_loop3A_212 = arith.constant 2 : i32
        %parallel_loop3A_213 = arith.addi %parallel_loop3A_129, %parallel_loop3A_212 : i32
        %parallel_loop3A_214 = arith.index_cast %rem3A_76 : i32 to index
        %parallel_loop3A_215 = arith.index_cast %parallel_loop3A_213 : i32 to index
        %parallel_loop3A_216 = arith.constant 0 : index
        %parallel_loop3A_217 = tpu.vector_load %arg10[%parallel_loop3A_214, %parallel_loop3A_215, %parallel_loop3A_216] {strides = array<i32>} : memref<2x400x64xf32, #tpu.memory_space<vmem>>, vector<16xf32>,
        %parallel_loop3A_218 = arith.index_cast %rem3A_76 : i32 to index
        %parallel_loop3A_219 = arith.index_cast %parallel_loop3A_213 : i32 to index
        %parallel_loop3A_220 = arith.constant 16 : index
        %parallel_loop3A_221 = tpu.vector_load %arg10[%parallel_loop3A_218, %parallel_loop3A_219, %parallel_loop3A_220] {strides = array<i32>} : memref<2x400x64xf32, #tpu.memory_space<vmem>>, vector<16xf32>,
        %parallel_loop3A_222 = arith.index_cast %rem3A_76 : i32 to index
        %parallel_loop3A_223 = arith.index_cast %parallel_loop3A_213 : i32 to index
        %parallel_loop3A_224 = arith.constant 32 : index
        %parallel_loop3A_225 = tpu.vector_load %arg10[%parallel_loop3A_222, %parallel_loop3A_223, %parallel_loop3A_224] {strides = array<i32>} : memref<2x400x64xf32, #tpu.memory_space<vmem>>, vector<16xf32>,
        %parallel_loop3A_226 = arith.index_cast %rem3A_76 : i32 to index
        %parallel_loop3A_227 = arith.index_cast %parallel_loop3A_213 : i32 to index
        %parallel_loop3A_228 = arith.constant 48 : index
        %parallel_loop3A_229 = tpu.vector_load %arg10[%parallel_loop3A_226, %parallel_loop3A_227, %parallel_loop3A_228] {strides = array<i32>} : memref<2x400x64xf32, #tpu.memory_space<vmem>>, vector<16xf32>,
        %parallel_loop3A_230 = arith.mulf %parallel_loop3A_217, %get3A_1 : vector<16xf32>
        %parallel_loop3A_231 = arith.mulf %parallel_loop3A_221, %get3A_3 : vector<16xf32>
        %parallel_loop3A_232 = arith.addf %parallel_loop3A_230, %parallel_loop3A_231 : vector<16xf32>
        %parallel_loop3A_233 = arith.mulf %parallel_loop3A_225, %get3A_5 : vector<16xf32>
        %parallel_loop3A_234 = arith.mulf %parallel_loop3A_229, %get3A_7 : vector<16xf32>
        %parallel_loop3A_235 = arith.addf %parallel_loop3A_233, %parallel_loop3A_234 : vector<16xf32>
        %parallel_loop3A_236 = arith.addf %parallel_loop3A_232, %parallel_loop3A_235 : vector<16xf32>
        %parallel_loop3A_237 = arith.constant true
        %parallel_loop3A_238 = vector.broadcast %parallel_loop3A_237 : i1 to vector<16xi1>
        %parallel_loop3A_239 = tpu.scan <sum>, %parallel_loop3A_236 masked %parallel_loop3A_238 : vector<16xf32>, vector<16xi1> -> vector<16xf32>
        %parallel_loop3A_240 = vector.extract %parallel_loop3A_239[15] : f32 from vector<16xf32>
        %parallel_loop3A_241 = arith.constant 3 : i32
        %parallel_loop3A_242 = arith.addi %parallel_loop3A_129, %parallel_loop3A_241 : i32
        %parallel_loop3A_243 = arith.index_cast %rem3A_76 : i32 to index
        %parallel_loop3A_244 = arith.index_cast %parallel_loop3A_242 : i32 to index
        %parallel_loop3A_245 = arith.constant 0 : index
        %parallel_loop3A_246 = tpu.vector_load %arg10[%parallel_loop3A_243, %parallel_loop3A_244, %parallel_loop3A_245] {strides = array<i32>} : memref<2x400x64xf32, #tpu.memory_space<vmem>>, vector<16xf32>,
        %parallel_loop3A_247 = arith.index_cast %rem3A_76 : i32 to index
        %parallel_loop3A_248 = arith.index_cast %parallel_loop3A_242 : i32 to index
        %parallel_loop3A_249 = arith.constant 16 : index
        %parallel_loop3A_250 = tpu.vector_load %arg10[%parallel_loop3A_247, %parallel_loop3A_248, %parallel_loop3A_249] {strides = array<i32>} : memref<2x400x64xf32, #tpu.memory_space<vmem>>, vector<16xf32>,
        %parallel_loop3A_251 = arith.index_cast %rem3A_76 : i32 to index
        %parallel_loop3A_252 = arith.index_cast %parallel_loop3A_242 : i32 to index
        %parallel_loop3A_253 = arith.constant 32 : index
        %parallel_loop3A_254 = tpu.vector_load %arg10[%parallel_loop3A_251, %parallel_loop3A_252, %parallel_loop3A_253] {strides = array<i32>} : memref<2x400x64xf32, #tpu.memory_space<vmem>>, vector<16xf32>,
        %parallel_loop3A_255 = arith.index_cast %rem3A_76 : i32 to index
        %parallel_loop3A_256 = arith.index_cast %parallel_loop3A_242 : i32 to index
        %parallel_loop3A_257 = arith.constant 48 : index
        %parallel_loop3A_258 = tpu.vector_load %arg10[%parallel_loop3A_255, %parallel_loop3A_256, %parallel_loop3A_257] {strides = array<i32>} : memref<2x400x64xf32, #tpu.memory_space<vmem>>, vector<16xf32>,
        %parallel_loop3A_259 = arith.mulf %parallel_loop3A_246, %get3A_1 : vector<16xf32>
        %parallel_loop3A_260 = arith.mulf %parallel_loop3A_250, %get3A_3 : vector<16xf32>
        %parallel_loop3A_261 = arith.addf %parallel_loop3A_259, %parallel_loop3A_260 : vector<16xf32>
        %parallel_loop3A_262 = arith.mulf %parallel_loop3A_254, %get3A_5 : vector<16xf32>
        %parallel_loop3A_263 = arith.mulf %parallel_loop3A_258, %get3A_7 : vector<16xf32>
        %parallel_loop3A_264 = arith.addf %parallel_loop3A_262, %parallel_loop3A_263 : vector<16xf32>
        %parallel_loop3A_265 = arith.addf %parallel_loop3A_261, %parallel_loop3A_264 : vector<16xf32>
        %parallel_loop3A_266 = arith.constant true
        %parallel_loop3A_267 = vector.broadcast %parallel_loop3A_266 : i1 to vector<16xi1>
        %parallel_loop3A_268 = tpu.scan <sum>, %parallel_loop3A_265 masked %parallel_loop3A_267 : vector<16xf32>, vector<16xi1> -> vector<16xf32>
        %parallel_loop3A_269 = vector.extract %parallel_loop3A_268[15] : f32 from vector<16xf32>
        %parallel_loop3A_270 = arith.constant 4 : i32
        %parallel_loop3A_271 = arith.addi %parallel_loop3A_129, %parallel_loop3A_270 : i32
        %parallel_loop3A_272 = arith.index_cast %rem3A_76 : i32 to index
        %parallel_loop3A_273 = arith.index_cast %parallel_loop3A_271 : i32 to index
        %parallel_loop3A_274 = arith.constant 0 : index
        %parallel_loop3A_275 = tpu.vector_load %arg10[%parallel_loop3A_272, %parallel_loop3A_273, %parallel_loop3A_274] {strides = array<i32>} : memref<2x400x64xf32, #tpu.memory_space<vmem>>, vector<16xf32>,
        %parallel_loop3A_276 = arith.index_cast %rem3A_76 : i32 to index
        %parallel_loop3A_277 = arith.index_cast %parallel_loop3A_271 : i32 to index
        %parallel_loop3A_278 = arith.constant 16 : index
        %parallel_loop3A_279 = tpu.vector_load %arg10[%parallel_loop3A_276, %parallel_loop3A_277, %parallel_loop3A_278] {strides = array<i32>} : memref<2x400x64xf32, #tpu.memory_space<vmem>>, vector<16xf32>,
        %parallel_loop3A_280 = arith.index_cast %rem3A_76 : i32 to index
        %parallel_loop3A_281 = arith.index_cast %parallel_loop3A_271 : i32 to index
        %parallel_loop3A_282 = arith.constant 32 : index
        %parallel_loop3A_283 = tpu.vector_load %arg10[%parallel_loop3A_280, %parallel_loop3A_281, %parallel_loop3A_282] {strides = array<i32>} : memref<2x400x64xf32, #tpu.memory_space<vmem>>, vector<16xf32>,
        %parallel_loop3A_284 = arith.index_cast %rem3A_76 : i32 to index
        %parallel_loop3A_285 = arith.index_cast %parallel_loop3A_271 : i32 to index
        %parallel_loop3A_286 = arith.constant 48 : index
        %parallel_loop3A_287 = tpu.vector_load %arg10[%parallel_loop3A_284, %parallel_loop3A_285, %parallel_loop3A_286] {strides = array<i32>} : memref<2x400x64xf32, #tpu.memory_space<vmem>>, vector<16xf32>,
        %parallel_loop3A_288 = arith.mulf %parallel_loop3A_275, %get3A_1 : vector<16xf32>
        %parallel_loop3A_289 = arith.mulf %parallel_loop3A_279, %get3A_3 : vector<16xf32>
        %parallel_loop3A_290 = arith.addf %parallel_loop3A_288, %parallel_loop3A_289 : vector<16xf32>
        %parallel_loop3A_291 = arith.mulf %parallel_loop3A_283, %get3A_5 : vector<16xf32>
        %parallel_loop3A_292 = arith.mulf %parallel_loop3A_287, %get3A_7 : vector<16xf32>
        %parallel_loop3A_293 = arith.addf %parallel_loop3A_291, %parallel_loop3A_292 : vector<16xf32>
        %parallel_loop3A_294 = arith.addf %parallel_loop3A_290, %parallel_loop3A_293 : vector<16xf32>
        %parallel_loop3A_295 = arith.constant true
        %parallel_loop3A_296 = vector.broadcast %parallel_loop3A_295 : i1 to vector<16xi1>
        %parallel_loop3A_297 = tpu.scan <sum>, %parallel_loop3A_294 masked %parallel_loop3A_296 : vector<16xf32>, vector<16xi1> -> vector<16xf32>
        %parallel_loop3A_298 = vector.extract %parallel_loop3A_297[15] : f32 from vector<16xf32>
        %parallel_loop3A_299 = arith.constant 5 : i32
        %parallel_loop3A_300 = arith.addi %parallel_loop3A_129, %parallel_loop3A_299 : i32
        %parallel_loop3A_301 = arith.index_cast %rem3A_76 : i32 to index
        %parallel_loop3A_302 = arith.index_cast %parallel_loop3A_300 : i32 to index
        %parallel_loop3A_303 = arith.constant 0 : index
        %parallel_loop3A_304 = tpu.vector_load %arg10[%parallel_loop3A_301, %parallel_loop3A_302, %parallel_loop3A_303] {strides = array<i32>} : memref<2x400x64xf32, #tpu.memory_space<vmem>>, vector<16xf32>,
        %parallel_loop3A_305 = arith.index_cast %rem3A_76 : i32 to index
        %parallel_loop3A_306 = arith.index_cast %parallel_loop3A_300 : i32 to index
        %parallel_loop3A_307 = arith.constant 16 : index
        %parallel_loop3A_308 = tpu.vector_load %arg10[%parallel_loop3A_305, %parallel_loop3A_306, %parallel_loop3A_307] {strides = array<i32>} : memref<2x400x64xf32, #tpu.memory_space<vmem>>, vector<16xf32>,
        %parallel_loop3A_309 = arith.index_cast %rem3A_76 : i32 to index
        %parallel_loop3A_310 = arith.index_cast %parallel_loop3A_300 : i32 to index
        %parallel_loop3A_311 = arith.constant 32 : index
        %parallel_loop3A_312 = tpu.vector_load %arg10[%parallel_loop3A_309, %parallel_loop3A_310, %parallel_loop3A_311] {strides = array<i32>} : memref<2x400x64xf32, #tpu.memory_space<vmem>>, vector<16xf32>,
        %parallel_loop3A_313 = arith.index_cast %rem3A_76 : i32 to index
        %parallel_loop3A_314 = arith.index_cast %parallel_loop3A_300 : i32 to index
        %parallel_loop3A_315 = arith.constant 48 : index
        %parallel_loop3A_316 = tpu.vector_load %arg10[%parallel_loop3A_313, %parallel_loop3A_314, %parallel_loop3A_315] {strides = array<i32>} : memref<2x400x64xf32, #tpu.memory_space<vmem>>, vector<16xf32>,
        %parallel_loop3A_317 = arith.mulf %parallel_loop3A_304, %get3A_1 : vector<16xf32>
        %parallel_loop3A_318 = arith.mulf %parallel_loop3A_308, %get3A_3 : vector<16xf32>
        %parallel_loop3A_319 = arith.addf %parallel_loop3A_317, %parallel_loop3A_318 : vector<16xf32>
        %parallel_loop3A_320 = arith.mulf %parallel_loop3A_312, %get3A_5 : vector<16xf32>
        %parallel_loop3A_321 = arith.mulf %parallel_loop3A_316, %get3A_7 : vector<16xf32>
        %parallel_loop3A_322 = arith.addf %parallel_loop3A_320, %parallel_loop3A_321 : vector<16xf32>
        %parallel_loop3A_323 = arith.addf %parallel_loop3A_319, %parallel_loop3A_322 : vector<16xf32>
        %parallel_loop3A_324 = arith.constant true
        %parallel_loop3A_325 = vector.broadcast %parallel_loop3A_324 : i1 to vector<16xi1>
        %parallel_loop3A_326 = tpu.scan <sum>, %parallel_loop3A_323 masked %parallel_loop3A_325 : vector<16xf32>, vector<16xi1> -> vector<16xf32>
        %parallel_loop3A_327 = vector.extract %parallel_loop3A_326[15] : f32 from vector<16xf32>
        %parallel_loop3A_328 = arith.constant 6 : i32
        %parallel_loop3A_329 = arith.addi %parallel_loop3A_129, %parallel_loop3A_328 : i32
        %parallel_loop3A_330 = arith.index_cast %rem3A_76 : i32 to index
        %parallel_loop3A_331 = arith.index_cast %parallel_loop3A_329 : i32 to index
        %parallel_loop3A_332 = arith.constant 0 : index
        %parallel_loop3A_333 = tpu.vector_load %arg10[%parallel_loop3A_330, %parallel_loop3A_331, %parallel_loop3A_332] {strides = array<i32>} : memref<2x400x64xf32, #tpu.memory_space<vmem>>, vector<16xf32>,
        %parallel_loop3A_334 = arith.index_cast %rem3A_76 : i32 to index
        %parallel_loop3A_335 = arith.index_cast %parallel_loop3A_329 : i32 to index
        %parallel_loop3A_336 = arith.constant 16 : index
        %parallel_loop3A_337 = tpu.vector_load %arg10[%parallel_loop3A_334, %parallel_loop3A_335, %parallel_loop3A_336] {strides = array<i32>} : memref<2x400x64xf32, #tpu.memory_space<vmem>>, vector<16xf32>,
        %parallel_loop3A_338 = arith.index_cast %rem3A_76 : i32 to index
        %parallel_loop3A_339 = arith.index_cast %parallel_loop3A_329 : i32 to index
        %parallel_loop3A_340 = arith.constant 32 : index
        %parallel_loop3A_341 = tpu.vector_load %arg10[%parallel_loop3A_338, %parallel_loop3A_339, %parallel_loop3A_340] {strides = array<i32>} : memref<2x400x64xf32, #tpu.memory_space<vmem>>, vector<16xf32>,
        %parallel_loop3A_342 = arith.index_cast %rem3A_76 : i32 to index
        %parallel_loop3A_343 = arith.index_cast %parallel_loop3A_329 : i32 to index
        %parallel_loop3A_344 = arith.constant 48 : index
        %parallel_loop3A_345 = tpu.vector_load %arg10[%parallel_loop3A_342, %parallel_loop3A_343, %parallel_loop3A_344] {strides = array<i32>} : memref<2x400x64xf32, #tpu.memory_space<vmem>>, vector<16xf32>,
        %parallel_loop3A_346 = arith.mulf %parallel_loop3A_333, %get3A_1 : vector<16xf32>
        %parallel_loop3A_347 = arith.mulf %parallel_loop3A_337, %get3A_3 : vector<16xf32>
        %parallel_loop3A_348 = arith.addf %parallel_loop3A_346, %parallel_loop3A_347 : vector<16xf32>
        %parallel_loop3A_349 = arith.mulf %parallel_loop3A_341, %get3A_5 : vector<16xf32>
        %parallel_loop3A_350 = arith.mulf %parallel_loop3A_345, %get3A_7 : vector<16xf32>
        %parallel_loop3A_351 = arith.addf %parallel_loop3A_349, %parallel_loop3A_350 : vector<16xf32>
        %parallel_loop3A_352 = arith.addf %parallel_loop3A_348, %parallel_loop3A_351 : vector<16xf32>
        %parallel_loop3A_353 = arith.constant true
        %parallel_loop3A_354 = vector.broadcast %parallel_loop3A_353 : i1 to vector<16xi1>
        %parallel_loop3A_355 = tpu.scan <sum>, %parallel_loop3A_352 masked %parallel_loop3A_354 : vector<16xf32>, vector<16xi1> -> vector<16xf32>
        %parallel_loop3A_356 = vector.extract %parallel_loop3A_355[15] : f32 from vector<16xf32>
        %parallel_loop3A_357 = arith.constant 7 : i32
        %parallel_loop3A_358 = arith.addi %parallel_loop3A_129, %parallel_loop3A_357 : i32
        %parallel_loop3A_359 = arith.index_cast %rem3A_76 : i32 to index
        %parallel_loop3A_360 = arith.index_cast %parallel_loop3A_358 : i32 to index
        %parallel_loop3A_361 = arith.constant 0 : index
        %parallel_loop3A_362 = tpu.vector_load %arg10[%parallel_loop3A_359, %parallel_loop3A_360, %parallel_loop3A_361] {strides = array<i32>} : memref<2x400x64xf32, #tpu.memory_space<vmem>>, vector<16xf32>,
        %parallel_loop3A_363 = arith.index_cast %rem3A_76 : i32 to index
        %parallel_loop3A_364 = arith.index_cast %parallel_loop3A_358 : i32 to index
        %parallel_loop3A_365 = arith.constant 16 : index
        %parallel_loop3A_366 = tpu.vector_load %arg10[%parallel_loop3A_363, %parallel_loop3A_364, %parallel_loop3A_365] {strides = array<i32>} : memref<2x400x64xf32, #tpu.memory_space<vmem>>, vector<16xf32>,
        %parallel_loop3A_367 = arith.index_cast %rem3A_76 : i32 to index
        %parallel_loop3A_368 = arith.index_cast %parallel_loop3A_358 : i32 to index
        %parallel_loop3A_369 = arith.constant 32 : index
        %parallel_loop3A_370 = tpu.vector_load %arg10[%parallel_loop3A_367, %parallel_loop3A_368, %parallel_loop3A_369] {strides = array<i32>} : memref<2x400x64xf32, #tpu.memory_space<vmem>>, vector<16xf32>,
        %parallel_loop3A_371 = arith.index_cast %rem3A_76 : i32 to index
        %parallel_loop3A_372 = arith.index_cast %parallel_loop3A_358 : i32 to index
        %parallel_loop3A_373 = arith.constant 48 : index
        %parallel_loop3A_374 = tpu.vector_load %arg10[%parallel_loop3A_371, %parallel_loop3A_372, %parallel_loop3A_373] {strides = array<i32>} : memref<2x400x64xf32, #tpu.memory_space<vmem>>, vector<16xf32>,
        %parallel_loop3A_375 = arith.mulf %parallel_loop3A_362, %get3A_1 : vector<16xf32>
        %parallel_loop3A_376 = arith.mulf %parallel_loop3A_366, %get3A_3 : vector<16xf32>
        %parallel_loop3A_377 = arith.addf %parallel_loop3A_375, %parallel_loop3A_376 : vector<16xf32>
        %parallel_loop3A_378 = arith.mulf %parallel_loop3A_370, %get3A_5 : vector<16xf32>
        %parallel_loop3A_379 = arith.mulf %parallel_loop3A_374, %get3A_7 : vector<16xf32>
        %parallel_loop3A_380 = arith.addf %parallel_loop3A_378, %parallel_loop3A_379 : vector<16xf32>
        %parallel_loop3A_381 = arith.addf %parallel_loop3A_377, %parallel_loop3A_380 : vector<16xf32>
        %parallel_loop3A_382 = arith.constant true
        %parallel_loop3A_383 = vector.broadcast %parallel_loop3A_382 : i1 to vector<16xi1>
        %parallel_loop3A_384 = tpu.scan <sum>, %parallel_loop3A_381 masked %parallel_loop3A_383 : vector<16xf32>, vector<16xi1> -> vector<16xf32>
        %parallel_loop3A_385 = vector.extract %parallel_loop3A_384[15] : f32 from vector<16xf32>
        %parallel_loop3A_386 = arith.constant 0.000000e+00 : f32
        %parallel_loop3A_387 = vector.broadcast %parallel_loop3A_182 : f32 to vector<16xf32>
        %parallel_loop3A_388 = vector.broadcast %parallel_loop3A_386 : f32 to vector<16xf32>
        %parallel_loop3A_389 = arith.select %eq3A_11, %parallel_loop3A_387, %parallel_loop3A_388 : vector<16xi1>, vector<16xf32>
        %parallel_loop3A_390 = vector.broadcast %parallel_loop3A_211 : f32 to vector<16xf32>
        %parallel_loop3A_391 = arith.select %eq3A_14, %parallel_loop3A_390, %parallel_loop3A_389 : vector<16xi1>, vector<16xf32>
        %parallel_loop3A_392 = vector.broadcast %parallel_loop3A_240 : f32 to vector<16xf32>
        %parallel_loop3A_393 = arith.select %eq3A_17, %parallel_loop3A_392, %parallel_loop3A_391 : vector<16xi1>, vector<16xf32>
        %parallel_loop3A_394 = vector.broadcast %parallel_loop3A_269 : f32 to vector<16xf32>
        %parallel_loop3A_395 = arith.select %eq3A_20, %parallel_loop3A_394, %parallel_loop3A_393 : vector<16xi1>, vector<16xf32>
        %parallel_loop3A_396 = vector.broadcast %parallel_loop3A_298 : f32 to vector<16xf32>
        %parallel_loop3A_397 = arith.select %eq3A_23, %parallel_loop3A_396, %parallel_loop3A_395 : vector<16xi1>, vector<16xf32>
        %parallel_loop3A_398 = vector.broadcast %parallel_loop3A_327 : f32 to vector<16xf32>
        %parallel_loop3A_399 = arith.select %eq3A_26, %parallel_loop3A_398, %parallel_loop3A_397 : vector<16xi1>, vector<16xf32>
        %parallel_loop3A_400 = vector.broadcast %parallel_loop3A_356 : f32 to vector<16xf32>
        %parallel_loop3A_401 = arith.select %eq3A_29, %parallel_loop3A_400, %parallel_loop3A_399 : vector<16xi1>, vector<16xf32>
        %parallel_loop3A_402 = vector.broadcast %parallel_loop3A_385 : f32 to vector<16xf32>
        %parallel_loop3A_403 = arith.select %eq3A_32, %parallel_loop3A_402, %parallel_loop3A_401 : vector<16xi1>, vector<16xf32>
        %parallel_loop3A_404 = arith.constant 0.899999976 : f32
        %parallel_loop3A_405 = vector.broadcast %parallel_loop3A_404 : f32 to vector<16xf32>
        %parallel_loop3A_406 = arith.cmpf oge, %parallel_loop3A_403, %parallel_loop3A_405 : vector<16xf32>
        %parallel_loop3A_407 = arith.constant 0.000000e+00 : f32
        %parallel_loop3A_408 = vector.broadcast %parallel_loop3A_407 : f32 to vector<16xf32>
        %parallel_loop3A_409 = arith.select %parallel_loop3A_406, %parallel_loop3A_153, %parallel_loop3A_408 : vector<16xi1>, vector<16xf32>
        %parallel_loop3A_410 = arith.constant 5.000000e-01 : f32
        %parallel_loop3A_411 = vector.broadcast %parallel_loop3A_410 : f32 to vector<16xf32>
        %parallel_loop3A_412 = arith.cmpf ogt, %parallel_loop3A_409, %parallel_loop3A_411 : vector<16xf32>
        %parallel_loop3A_413 = arith.constant 1.000000e+01 : f32
        %parallel_loop3A_414 = vector.broadcast %parallel_loop3A_413 : f32 to vector<16xf32>
        %parallel_loop3A_415 = arith.mulf %parallel_loop3A_403, %parallel_loop3A_414 : vector<16xf32>
        %parallel_loop3A_416 = arith.constant -1.000000e+30 : f32
        %parallel_loop3A_417 = vector.broadcast %parallel_loop3A_416 : f32 to vector<16xf32>
        %parallel_loop3A_418 = arith.select %parallel_loop3A_412, %parallel_loop3A_415, %parallel_loop3A_417 : vector<16xi1>, vector<16xf32>
        %parallel_loop3A_419 = arith.constant true
        %parallel_loop3A_420 = vector.broadcast %parallel_loop3A_419 : i1 to vector<16xi1>
        %parallel_loop3A_421 = tpu.scan <max>, %parallel_loop3A_418 masked %parallel_loop3A_420 : vector<16xf32>, vector<16xi1> -> vector<16xf32>
        %parallel_loop3A_422 = vector.extract %parallel_loop3A_421[15] : f32 from vector<16xf32>
        %parallel_loop3A_423 = arith.maximumf %parallel_loop3A_122, %parallel_loop3A_422 : f32
        %parallel_loop3A_424 = arith.subf %parallel_loop3A_122, %parallel_loop3A_423 : f32
        %parallel_loop3A_425 = vector.broadcast %parallel_loop3A_424 : f32 to vector<16xf32>
        %parallel_loop3A_426 = math.exp %parallel_loop3A_425 : vector<16xf32>
        %parallel_loop3A_427 = vector.broadcast %parallel_loop3A_423 : f32 to vector<16xf32>
        %parallel_loop3A_428 = arith.subf %parallel_loop3A_418, %parallel_loop3A_427 : vector<16xf32>
        %parallel_loop3A_429 = math.exp %parallel_loop3A_428 : vector<16xf32>
        %parallel_loop3A_430 = arith.mulf %parallel_loop3A_429, %parallel_loop3A_409 : vector<16xf32>
        %parallel_loop3A_431 = arith.mulf %parallel_loop3A_123, %parallel_loop3A_426 : vector<16xf32>
        %parallel_loop3A_432 = arith.addf %parallel_loop3A_431, %parallel_loop3A_430 : vector<16xf32>
        %parallel_loop3A_433 = arith.mulf %parallel_loop3A_124, %parallel_loop3A_426 : vector<16xf32>
        %parallel_loop3A_434 = arith.mulf %parallel_loop3A_125, %parallel_loop3A_426 : vector<16xf32>
        %parallel_loop3A_435 = arith.mulf %parallel_loop3A_126, %parallel_loop3A_426 : vector<16xf32>
        %parallel_loop3A_436 = arith.mulf %parallel_loop3A_127, %parallel_loop3A_426 : vector<16xf32>
        %parallel_loop3A_437 = vector.extract_strided_slice %parallel_loop3A_430 {offsets = [0], sizes = [1], strides = [1]} : vector<16xf32> to vector<1xf32>
        %parallel_loop3A_438 = vector.extract %parallel_loop3A_437[0] : f32 from vector<1xf32>
        %parallel_loop3A_439 = vector.broadcast %parallel_loop3A_438 : f32 to vector<16xf32>
        %parallel_loop3A_440 = arith.mulf %parallel_loop3A_439, %parallel_loop3A_159 : vector<16xf32>
        %parallel_loop3A_441 = arith.addf %parallel_loop3A_433, %parallel_loop3A_440 : vector<16xf32>
        %parallel_loop3A_442 = vector.broadcast %parallel_loop3A_438 : f32 to vector<16xf32>
        %parallel_loop3A_443 = arith.mulf %parallel_loop3A_442, %parallel_loop3A_163 : vector<16xf32>
        %parallel_loop3A_444 = arith.addf %parallel_loop3A_434, %parallel_loop3A_443 : vector<16xf32>
        %parallel_loop3A_445 = vector.broadcast %parallel_loop3A_438 : f32 to vector<16xf32>
        %parallel_loop3A_446 = arith.mulf %parallel_loop3A_445, %parallel_loop3A_167 : vector<16xf32>
        %parallel_loop3A_447 = arith.addf %parallel_loop3A_435, %parallel_loop3A_446 : vector<16xf32>
        %parallel_loop3A_448 = vector.broadcast %parallel_loop3A_438 : f32 to vector<16xf32>
        %parallel_loop3A_449 = arith.mulf %parallel_loop3A_448, %parallel_loop3A_171 : vector<16xf32>
        %parallel_loop3A_450 = arith.addf %parallel_loop3A_436, %parallel_loop3A_449 : vector<16xf32>
        %parallel_loop3A_451 = vector.extract_strided_slice %parallel_loop3A_430 {offsets = [1], sizes = [1], strides = [1]} : vector<16xf32> to vector<1xf32>
        %parallel_loop3A_452 = vector.extract %parallel_loop3A_451[0] : f32 from vector<1xf32>
        %parallel_loop3A_453 = vector.broadcast %parallel_loop3A_452 : f32 to vector<16xf32>
        %parallel_loop3A_454 = arith.mulf %parallel_loop3A_453, %parallel_loop3A_188 : vector<16xf32>
        %parallel_loop3A_455 = arith.addf %parallel_loop3A_441, %parallel_loop3A_454 : vector<16xf32>
        %parallel_loop3A_456 = vector.broadcast %parallel_loop3A_452 : f32 to vector<16xf32>
        %parallel_loop3A_457 = arith.mulf %parallel_loop3A_456, %parallel_loop3A_192 : vector<16xf32>
        %parallel_loop3A_458 = arith.addf %parallel_loop3A_444, %parallel_loop3A_457 : vector<16xf32>
        %parallel_loop3A_459 = vector.broadcast %parallel_loop3A_452 : f32 to vector<16xf32>
        %parallel_loop3A_460 = arith.mulf %parallel_loop3A_459, %parallel_loop3A_196 : vector<16xf32>
        %parallel_loop3A_461 = arith.addf %parallel_loop3A_447, %parallel_loop3A_460 : vector<16xf32>
        %parallel_loop3A_462 = vector.broadcast %parallel_loop3A_452 : f32 to vector<16xf32>
        %parallel_loop3A_463 = arith.mulf %parallel_loop3A_462, %parallel_loop3A_200 : vector<16xf32>
        %parallel_loop3A_464 = arith.addf %parallel_loop3A_450, %parallel_loop3A_463 : vector<16xf32>
        %parallel_loop3A_465 = vector.extract_strided_slice %parallel_loop3A_430 {offsets = [2], sizes = [1], strides = [1]} : vector<16xf32> to vector<1xf32>
        %parallel_loop3A_466 = vector.extract %parallel_loop3A_465[0] : f32 from vector<1xf32>
        %parallel_loop3A_467 = vector.broadcast %parallel_loop3A_466 : f32 to vector<16xf32>
        %parallel_loop3A_468 = arith.mulf %parallel_loop3A_467, %parallel_loop3A_217 : vector<16xf32>
        %parallel_loop3A_469 = arith.addf %parallel_loop3A_455, %parallel_loop3A_468 : vector<16xf32>
        %parallel_loop3A_470 = vector.broadcast %parallel_loop3A_466 : f32 to vector<16xf32>
        %parallel_loop3A_471 = arith.mulf %parallel_loop3A_470, %parallel_loop3A_221 : vector<16xf32>
        %parallel_loop3A_472 = arith.addf %parallel_loop3A_458, %parallel_loop3A_471 : vector<16xf32>
        %parallel_loop3A_473 = vector.broadcast %parallel_loop3A_466 : f32 to vector<16xf32>
        %parallel_loop3A_474 = arith.mulf %parallel_loop3A_473, %parallel_loop3A_225 : vector<16xf32>
        %parallel_loop3A_475 = arith.addf %parallel_loop3A_461, %parallel_loop3A_474 : vector<16xf32>
        %parallel_loop3A_476 = vector.broadcast %parallel_loop3A_466 : f32 to vector<16xf32>
        %parallel_loop3A_477 = arith.mulf %parallel_loop3A_476, %parallel_loop3A_229 : vector<16xf32>
        %parallel_loop3A_478 = arith.addf %parallel_loop3A_464, %parallel_loop3A_477 : vector<16xf32>
        %parallel_loop3A_479 = vector.extract_strided_slice %parallel_loop3A_430 {offsets = [3], sizes = [1], strides = [1]} : vector<16xf32> to vector<1xf32>
        %parallel_loop3A_480 = vector.extract %parallel_loop3A_479[0] : f32 from vector<1xf32>
        %parallel_loop3A_481 = vector.broadcast %parallel_loop3A_480 : f32 to vector<16xf32>
        %parallel_loop3A_482 = arith.mulf %parallel_loop3A_481, %parallel_loop3A_246 : vector<16xf32>
        %parallel_loop3A_483 = arith.addf %parallel_loop3A_469, %parallel_loop3A_482 : vector<16xf32>
        %parallel_loop3A_484 = vector.broadcast %parallel_loop3A_480 : f32 to vector<16xf32>
        %parallel_loop3A_485 = arith.mulf %parallel_loop3A_484, %parallel_loop3A_250 : vector<16xf32>
        %parallel_loop3A_486 = arith.addf %parallel_loop3A_472, %parallel_loop3A_485 : vector<16xf32>
        %parallel_loop3A_487 = vector.broadcast %parallel_loop3A_480 : f32 to vector<16xf32>
        %parallel_loop3A_488 = arith.mulf %parallel_loop3A_487, %parallel_loop3A_254 : vector<16xf32>
        %parallel_loop3A_489 = arith.addf %parallel_loop3A_475, %parallel_loop3A_488 : vector<16xf32>
        %parallel_loop3A_490 = vector.broadcast %parallel_loop3A_480 : f32 to vector<16xf32>
        %parallel_loop3A_491 = arith.mulf %parallel_loop3A_490, %parallel_loop3A_258 : vector<16xf32>
        %parallel_loop3A_492 = arith.addf %parallel_loop3A_478, %parallel_loop3A_491 : vector<16xf32>
        %parallel_loop3A_493 = vector.extract_strided_slice %parallel_loop3A_430 {offsets = [4], sizes = [1], strides = [1]} : vector<16xf32> to vector<1xf32>
        %parallel_loop3A_494 = vector.extract %parallel_loop3A_493[0] : f32 from vector<1xf32>
        %parallel_loop3A_495 = vector.broadcast %parallel_loop3A_494 : f32 to vector<16xf32>
        %parallel_loop3A_496 = arith.mulf %parallel_loop3A_495, %parallel_loop3A_275 : vector<16xf32>
        %parallel_loop3A_497 = arith.addf %parallel_loop3A_483, %parallel_loop3A_496 : vector<16xf32>
        %parallel_loop3A_498 = vector.broadcast %parallel_loop3A_494 : f32 to vector<16xf32>
        %parallel_loop3A_499 = arith.mulf %parallel_loop3A_498, %parallel_loop3A_279 : vector<16xf32>
        %parallel_loop3A_500 = arith.addf %parallel_loop3A_486, %parallel_loop3A_499 : vector<16xf32>
        %parallel_loop3A_501 = vector.broadcast %parallel_loop3A_494 : f32 to vector<16xf32>
        %parallel_loop3A_502 = arith.mulf %parallel_loop3A_501, %parallel_loop3A_283 : vector<16xf32>
        %parallel_loop3A_503 = arith.addf %parallel_loop3A_489, %parallel_loop3A_502 : vector<16xf32>
        %parallel_loop3A_504 = vector.broadcast %parallel_loop3A_494 : f32 to vector<16xf32>
        %parallel_loop3A_505 = arith.mulf %parallel_loop3A_504, %parallel_loop3A_287 : vector<16xf32>
        %parallel_loop3A_506 = arith.addf %parallel_loop3A_492, %parallel_loop3A_505 : vector<16xf32>
        %parallel_loop3A_507 = vector.extract_strided_slice %parallel_loop3A_430 {offsets = [5], sizes = [1], strides = [1]} : vector<16xf32> to vector<1xf32>
        %parallel_loop3A_508 = vector.extract %parallel_loop3A_507[0] : f32 from vector<1xf32>
        %parallel_loop3A_509 = vector.broadcast %parallel_loop3A_508 : f32 to vector<16xf32>
        %parallel_loop3A_510 = arith.mulf %parallel_loop3A_509, %parallel_loop3A_304 : vector<16xf32>
        %parallel_loop3A_511 = arith.addf %parallel_loop3A_497, %parallel_loop3A_510 : vector<16xf32>
        %parallel_loop3A_512 = vector.broadcast %parallel_loop3A_508 : f32 to vector<16xf32>
        %parallel_loop3A_513 = arith.mulf %parallel_loop3A_512, %parallel_loop3A_308 : vector<16xf32>
        %parallel_loop3A_514 = arith.addf %parallel_loop3A_500, %parallel_loop3A_513 : vector<16xf32>
        %parallel_loop3A_515 = vector.broadcast %parallel_loop3A_508 : f32 to vector<16xf32>
        %parallel_loop3A_516 = arith.mulf %parallel_loop3A_515, %parallel_loop3A_312 : vector<16xf32>
        %parallel_loop3A_517 = arith.addf %parallel_loop3A_503, %parallel_loop3A_516 : vector<16xf32>
        %parallel_loop3A_518 = vector.broadcast %parallel_loop3A_508 : f32 to vector<16xf32>
        %parallel_loop3A_519 = arith.mulf %parallel_loop3A_518, %parallel_loop3A_316 : vector<16xf32>
        %parallel_loop3A_520 = arith.addf %parallel_loop3A_506, %parallel_loop3A_519 : vector<16xf32>
        %parallel_loop3A_521 = vector.extract_strided_slice %parallel_loop3A_430 {offsets = [6], sizes = [1], strides = [1]} : vector<16xf32> to vector<1xf32>
        %parallel_loop3A_522 = vector.extract %parallel_loop3A_521[0] : f32 from vector<1xf32>
        %parallel_loop3A_523 = vector.broadcast %parallel_loop3A_522 : f32 to vector<16xf32>
        %parallel_loop3A_524 = arith.mulf %parallel_loop3A_523, %parallel_loop3A_333 : vector<16xf32>
        %parallel_loop3A_525 = arith.addf %parallel_loop3A_511, %parallel_loop3A_524 : vector<16xf32>
        %parallel_loop3A_526 = vector.broadcast %parallel_loop3A_522 : f32 to vector<16xf32>
        %parallel_loop3A_527 = arith.mulf %parallel_loop3A_526, %parallel_loop3A_337 : vector<16xf32>
        %parallel_loop3A_528 = arith.addf %parallel_loop3A_514, %parallel_loop3A_527 : vector<16xf32>
        %parallel_loop3A_529 = vector.broadcast %parallel_loop3A_522 : f32 to vector<16xf32>
        %parallel_loop3A_530 = arith.mulf %parallel_loop3A_529, %parallel_loop3A_341 : vector<16xf32>
        %parallel_loop3A_531 = arith.addf %parallel_loop3A_517, %parallel_loop3A_530 : vector<16xf32>
        %parallel_loop3A_532 = vector.broadcast %parallel_loop3A_522 : f32 to vector<16xf32>
        %parallel_loop3A_533 = arith.mulf %parallel_loop3A_532, %parallel_loop3A_345 : vector<16xf32>
        %parallel_loop3A_534 = arith.addf %parallel_loop3A_520, %parallel_loop3A_533 : vector<16xf32>
        %parallel_loop3A_535 = vector.extract_strided_slice %parallel_loop3A_430 {offsets = [7], sizes = [1], strides = [1]} : vector<16xf32> to vector<1xf32>
        %parallel_loop3A_536 = vector.extract %parallel_loop3A_535[0] : f32 from vector<1xf32>
        %parallel_loop3A_537 = vector.broadcast %parallel_loop3A_536 : f32 to vector<16xf32>
        %parallel_loop3A_538 = arith.mulf %parallel_loop3A_537, %parallel_loop3A_362 : vector<16xf32>
        %parallel_loop3A_539 = arith.addf %parallel_loop3A_525, %parallel_loop3A_538 : vector<16xf32>
        %parallel_loop3A_540 = vector.broadcast %parallel_loop3A_536 : f32 to vector<16xf32>
        %parallel_loop3A_541 = arith.mulf %parallel_loop3A_540, %parallel_loop3A_366 : vector<16xf32>
        %parallel_loop3A_542 = arith.addf %parallel_loop3A_528, %parallel_loop3A_541 : vector<16xf32>
        %parallel_loop3A_543 = vector.broadcast %parallel_loop3A_536 : f32 to vector<16xf32>
        %parallel_loop3A_544 = arith.mulf %parallel_loop3A_543, %parallel_loop3A_370 : vector<16xf32>
        %parallel_loop3A_545 = arith.addf %parallel_loop3A_531, %parallel_loop3A_544 : vector<16xf32>
        %parallel_loop3A_546 = vector.broadcast %parallel_loop3A_536 : f32 to vector<16xf32>
        %parallel_loop3A_547 = arith.mulf %parallel_loop3A_546, %parallel_loop3A_374 : vector<16xf32>
        %parallel_loop3A_548 = arith.addf %parallel_loop3A_534, %parallel_loop3A_547 : vector<16xf32>
        scf.yield %parallel_loop3A_423, %parallel_loop3A_432, %parallel_loop3A_539, %parallel_loop3A_542, %parallel_loop3A_545, %parallel_loop3A_548 : f32, vector<16xf32>, vector<16xf32>, vector<16xf32>, vector<16xf32>, vector<16xf32>
      } {sc.loop_unroll_factor = 1 : i64, sc.parallel_access}
      scf.yield %parallel_loop3A_120#0, %parallel_loop3A_120#1, %parallel_loop3A_120#2, %parallel_loop3A_120#3, %parallel_loop3A_120#4, %parallel_loop3A_120#5 : f32, vector<16xf32>, vector<16xf32>, vector<16xf32>, vector<16xf32>, vector<16xf32>
    }
    %swap3A = arith.constant 0 : index
    %swap3A_57 = tpu.vector_load %arg13[%swap3A] {strides = array<i32>} : memref<96xf32, #tpu.memory_space<vmem>>, vector<16xf32>,
    tpu.vector_store %arg13[%swap3A], %while3A_56#2 {strides = array<i32>} : memref<96xf32, #tpu.memory_space<vmem>>, vector<16xf32>,
    %swap3A_58 = arith.constant 16 : index
    %swap3A_59 = tpu.vector_load %arg13[%swap3A_58] {strides = array<i32>} : memref<96xf32, #tpu.memory_space<vmem>>, vector<16xf32>,
    tpu.vector_store %arg13[%swap3A_58], %while3A_56#3 {strides = array<i32>} : memref<96xf32, #tpu.memory_space<vmem>>, vector<16xf32>,
    %swap3A_60 = arith.constant 32 : index
    %swap3A_61 = tpu.vector_load %arg13[%swap3A_60] {strides = array<i32>} : memref<96xf32, #tpu.memory_space<vmem>>, vector<16xf32>,
    tpu.vector_store %arg13[%swap3A_60], %while3A_56#4 {strides = array<i32>} : memref<96xf32, #tpu.memory_space<vmem>>, vector<16xf32>,
    %swap3A_62 = arith.constant 48 : index
    %swap3A_63 = tpu.vector_load %arg13[%swap3A_62] {strides = array<i32>} : memref<96xf32, #tpu.memory_space<vmem>>, vector<16xf32>,
    tpu.vector_store %arg13[%swap3A_62], %while3A_56#5 {strides = array<i32>} : memref<96xf32, #tpu.memory_space<vmem>>, vector<16xf32>,
    %swap3A_64 = arith.constant 64 : index
    %swap3A_65 = tpu.vector_load %arg13[%swap3A_64] {strides = array<i32>} : memref<96xf32, #tpu.memory_space<vmem>>, vector<16xf32>,
    tpu.vector_store %arg13[%swap3A_64], %while3A_56#1 {strides = array<i32>} : memref<96xf32, #tpu.memory_space<vmem>>, vector<16xf32>,
    %broadcast_in_dim3A_66 = vector.broadcast %while3A_56#0 : f32 to vector<16xf32>
    %swap3A_67 = arith.constant 80 : index
    %swap3A_68 = tpu.vector_load %arg13[%swap3A_67] {strides = array<i32>} : memref<96xf32, #tpu.memory_space<vmem>>, vector<16xf32>,
    tpu.vector_store %arg13[%swap3A_67], %broadcast_in_dim3A_66 {strides = array<i32>} : memref<96xf32, #tpu.memory_space<vmem>>, vector<16xf32>,
    "tpu.region"() ({
      %run_scoped3A = tpu.sem_alloc : memref<!tpu.dma_semaphore, #tpu.memory_space<semaphore_mem>>
      %dma_start3A = arith.constant 0 : i32
      %dma_start3A_69 = tpu.memref_slice %arg7[%add3A, %dma_start3A] : memref<32x96xf32, #tpu.memory_space<hbm>> -> memref<1x96xf32, #tpu.memory_space<hbm>>
      %dma_start3A_70 = tpu.memref_squeeze %dma_start3A_69 : memref<1x96xf32, #tpu.memory_space<hbm>> -> memref<96xf32, #tpu.memory_space<hbm>>
      %dma_start3A_71 = arith.constant 0 : i32
      %dma_start3A_72 = tpu.memref_slice %arg7[%add3A, %dma_start3A_71] : memref<32x96xf32, #tpu.memory_space<hbm>> -> memref<1x96xf32, #tpu.memory_space<hbm>>
      %dma_start3A_73 = tpu.memref_squeeze %dma_start3A_72 : memref<1x96xf32, #tpu.memory_space<hbm>> -> memref<96xf32, #tpu.memory_space<hbm>>
      tpu.enqueue_dma source(%arg13 : memref<96xf32, #tpu.memory_space<vmem>>) target(%dma_start3A_73 : memref<96xf32, #tpu.memory_space<hbm>>) target_semaphore(%run_scoped3A : memref<!tpu.dma_semaphore, #tpu.memory_space<semaphore_mem>>)
      %dma_wait3A = arith.constant 0 : i32
      %dma_wait3A_74 = tpu.memref_slice %arg7[%add3A, %dma_wait3A] : memref<32x96xf32, #tpu.memory_space<hbm>> -> memref<1x96xf32, #tpu.memory_space<hbm>>
      %dma_wait3A_75 = tpu.memref_squeeze %dma_wait3A_74 : memref<1x96xf32, #tpu.memory_space<hbm>> -> memref<96xf32, #tpu.memory_space<hbm>>
      %dma_wait3A_76 = arith.constant 0 : i32
      %dma_wait3A_77 = tpu.memref_slice %arg7[%add3A, %dma_wait3A_76] : memref<32x96xf32, #tpu.memory_space<hbm>> -> memref<1x96xf32, #tpu.memory_space<hbm>>
      %dma_wait3A_78 = tpu.memref_squeeze %dma_wait3A_77 : memref<1x96xf32, #tpu.memory_space<hbm>> -> memref<96xf32, #tpu.memory_space<hbm>>
      tpu.wait_dma2 semaphore(%run_scoped3A : memref<!tpu.dma_semaphore, #tpu.memory_space<semaphore_mem>>) src(%arg13 : memref<96xf32, #tpu.memory_space<vmem>>) dst(%dma_wait3A_78 : memref<96xf32, #tpu.memory_space<hbm>>)
      tpu.yield
    }) : () -> ()
    return
  }
}

module attributes {stable_mosaic.version = 14 : i64} {
  func.func @_tc_body(%arg0: i32, %arg1: memref<1x64xf32, #tpu.memory_space<vmem>>, %arg2: memref<1x1xf32, #tpu.memory_space<vmem>>, %arg3: memref<25600x64xf32, #tpu.memory_space<vmem>>, %arg4: memref<1x200x128xf32, #tpu.memory_space<vmem>>, %arg5: memref<1x200x128xf32, #tpu.memory_space<vmem>>, %arg6: memref<1x1x96xf32, #tpu.memory_space<vmem>>) attributes {dimension_semantics = [#tpu.dimension_semantics<arbitrary>], iteration_bounds = array<i64: 39>, scalar_prefetch = 0 : i64, scratch_operands = 0 : i64, tpu.core_type = #tpu.core_type<tc>, window_params = [{pipeline_mode = #tpu.pipeline_mode<synchronous>, transform_indices = @transform_0, window_bounds = array<i64: 1, 64>}, {pipeline_mode = #tpu.pipeline_mode<synchronous>, transform_indices = @transform_1, window_bounds = array<i64: 1, 1>}, {transform_indices = @transform_2, window_bounds = array<i64: 25600, 64>}, {transform_indices = @transform_3, window_bounds = array<i64: 1, 200, 128>}, {transform_indices = @transform_4, window_bounds = array<i64: 1, 200, 128>}, {transform_indices = @transform_5, window_bounds = array<i64: 1, 1, 96>}]} {
    %get3A = arith.constant 0 : index
    %get3A_0 = arith.constant 0 : index
    %get3A_1 = vector.load %arg1[%get3A, %get3A_0] : memref<1x64xf32, #tpu.memory_space<vmem>>, vector<1x64xf32>
    %get3A_2 = arith.constant 0 : index
    %get3A_3 = arith.constant 0 : index
    %get3A_4 = vector.load %arg3[%get3A_2, %get3A_3] : memref<25600x64xf32, #tpu.memory_space<vmem>>, vector<25600x64xf32>
    %dot_general3A = arith.constant dense<0.000000e+00> : vector<1x25600xf32>
    %dot_general3A_5 = tpu.matmul %get3A_1, %get3A_4, %dot_general3A {dimension_numbers = #tpu.dot_dimension_numbers<[1], [1], [0], [0], [0, 0, 1, 0], [], []>, transpose_lhs_hint = false} : vector<1x64xf32>, vector<25600x64xf32>, vector<1x25600xf32> -> vector<1x25600xf32>
    %reshape3A = vector.shape_cast %dot_general3A_5 : vector<1x25600xf32> to vector<200x128xf32>
    %get3A_6 = arith.constant 0 : index
    %get3A_7 = arith.constant 0 : index
    %get3A_8 = vector.load %arg2[%get3A_6, %get3A_7] : memref<1x1xf32, #tpu.memory_space<vmem>>, vector<1x1xf32>
    %ge3A = arith.constant 0.899999976 : f32
    %ge3A_9 = vector.broadcast %ge3A : f32 to vector<200x128xf32>
    %ge3A_10 = arith.cmpf oge, %reshape3A, %ge3A_9 : vector<200x128xf32>
    %get3A_11 = arith.constant 0 : index
    %get3A_12 = arith.constant 0 : index
    %get3A_13 = arith.constant 0 : index
    %get3A_14 = vector.load %arg4[%get3A_11, %get3A_12, %get3A_13] : memref<1x200x128xf32, #tpu.memory_space<vmem>>, vector<1x200x128xf32>
    %get3A_15 = vector.shape_cast %get3A_14 : vector<1x200x128xf32> to vector<200x128xf32>
    %sub3A = vector.broadcast %get3A_8 : vector<1x1xf32> to vector<200x128xf32>
    %sub3A_16 = arith.subf %sub3A, %get3A_15 : vector<200x128xf32>
    %abs3A = math.absf %sub3A_16 : vector<200x128xf32>
    %le3A = arith.constant 1.000000e+00 : f32
    %le3A_17 = vector.broadcast %le3A : f32 to vector<200x128xf32>
    %le3A_18 = arith.cmpf ole, %abs3A, %le3A_17 : vector<200x128xf32>
    %and3A = arith.andi %ge3A_10, %le3A_18 : vector<200x128xi1>
    %get3A_19 = arith.constant 0 : index
    %get3A_20 = arith.constant 0 : index
    %get3A_21 = arith.constant 0 : index
    %get3A_22 = vector.load %arg5[%get3A_19, %get3A_20, %get3A_21] : memref<1x200x128xf32, #tpu.memory_space<vmem>>, vector<1x200x128xf32>
    %get3A_23 = vector.shape_cast %get3A_22 : vector<1x200x128xf32> to vector<200x128xf32>
    %gt3A = arith.constant 5.000000e-01 : f32
    %gt3A_24 = vector.broadcast %gt3A : f32 to vector<200x128xf32>
    %gt3A_25 = arith.cmpf ogt, %get3A_23, %gt3A_24 : vector<200x128xf32>
    %and3A_26 = arith.andi %and3A, %gt3A_25 : vector<200x128xi1>
    %mul3A = arith.constant 1.000000e+01 : f32
    %mul3A_27 = vector.broadcast %mul3A : f32 to vector<200x128xf32>
    %mul3A_28 = arith.mulf %reshape3A, %mul3A_27 : vector<200x128xf32>
    %jit3A = arith.constant -1.000000e+30 : f32
    %broadcast_in_dim3A = vector.broadcast %jit3A : f32 to vector<200x128xf32>
    %select_n3A = arith.select %and3A_26, %mul3A_28, %broadcast_in_dim3A : vector<200x128xi1>, vector<200x128xf32>
    %reduce_max3A = vector.shape_cast %select_n3A : vector<200x128xf32> to vector<1x200x128xf32>
    %reduce_max3A_29 = arith.constant dense<0xFF800000> : vector<1xf32>
    %reduce_max3A_30 = vector.multi_reduction <maximumf>, %reduce_max3A, %reduce_max3A_29 [1, 2] : vector<1x200x128xf32> to vector<1xf32>
    %reduce_max3A_31 = vector.shape_cast %reduce_max3A_30 : vector<1xf32> to vector<1x1x1xf32>
    %reduce_max3A_32 = vector.extract %reduce_max3A_31[0, 0, 0] : f32 from vector<1x1x1xf32>
    %broadcast_in_dim3A_33 = vector.broadcast %reduce_max3A_32 : f32 to vector<1x1xf32>
    %sub3A_34 = vector.broadcast %broadcast_in_dim3A_33 : vector<1x1xf32> to vector<200x128xf32>
    %sub3A_35 = arith.subf %select_n3A, %sub3A_34 : vector<200x128xf32>
    %exp3A = math.exp %sub3A_35 : vector<200x128xf32>
    %jit3A_36 = arith.constant 0.000000e+00 : f32
    %broadcast_in_dim3A_37 = vector.broadcast %jit3A_36 : f32 to vector<200x128xf32>
    %select_n3A_38 = arith.select %and3A_26, %exp3A, %broadcast_in_dim3A_37 : vector<200x128xi1>, vector<200x128xf32>
    %reduce_sum3A = vector.shape_cast %select_n3A_38 : vector<200x128xf32> to vector<1x200x128xf32>
    %reduce_sum3A_39 = arith.constant dense<0.000000e+00> : vector<1xf32>
    %reduce_sum3A_40 = vector.multi_reduction <add>, %reduce_sum3A, %reduce_sum3A_39 [1, 2] : vector<1x200x128xf32> to vector<1xf32>
    %reduce_sum3A_41 = vector.shape_cast %reduce_sum3A_40 : vector<1xf32> to vector<1x1x1xf32>
    %reduce_sum3A_42 = vector.extract %reduce_sum3A_41[0, 0, 0] : f32 from vector<1x1x1xf32>
    %broadcast_in_dim3A_43 = vector.broadcast %reduce_sum3A_42 : f32 to vector<1x1xf32>
    %reshape3A_44 = vector.shape_cast %select_n3A_38 : vector<200x128xf32> to vector<1x25600xf32>
    %dot_general3A_45 = arith.constant dense<0.000000e+00> : vector<1x64xf32>
    %dot_general3A_46 = tpu.matmul %reshape3A_44, %get3A_4, %dot_general3A_45 {dimension_numbers = #tpu.dot_dimension_numbers<[1], [0], [0], [1], [0, 0, 1, 1], [], []>, transpose_lhs_hint = false} : vector<1x25600xf32>, vector<25600x64xf32>, vector<1x64xf32> -> vector<1x64xf32>
    %iota3A = tpu.iota {dimensions = array<i32: 1>} : vector<1x16xi32>
    %eq3A = arith.constant 0 : i32
    %eq3A_47 = vector.broadcast %eq3A : i32 to vector<1x16xi32>
    %eq3A_48 = arith.cmpi eq, %iota3A, %eq3A_47 : vector<1x16xi32>
    %jit3A_49 = arith.constant 0.000000e+00 : f32
    %broadcast_in_dim3A_50 = vector.shape_cast %broadcast_in_dim3A_43 : vector<1x1xf32> to vector<1x1xf32>
    %broadcast_in_dim3A_51 = vector.broadcast %broadcast_in_dim3A_50 : vector<1x1xf32> to vector<1x16xf32>
    %broadcast_in_dim3A_52 = vector.broadcast %jit3A_49 : f32 to vector<1x16xf32>
    %select_n3A_53 = arith.select %eq3A_48, %broadcast_in_dim3A_51, %broadcast_in_dim3A_52 : vector<1x16xi1>, vector<1x16xf32>
    %broadcast_in_dim3A_54 = vector.shape_cast %broadcast_in_dim3A_33 : vector<1x1xf32> to vector<1x1xf32>
    %broadcast_in_dim3A_55 = vector.broadcast %broadcast_in_dim3A_54 : vector<1x1xf32> to vector<1x16xf32>
    %concatenate3A = tpu.concatenate %dot_general3A_46, %select_n3A_53, %broadcast_in_dim3A_55 in 1 : vector<1x64xf32>, vector<1x16xf32>, vector<1x16xf32> -> vector<1x96xf32>
    %swap3A = arith.constant 0 : index
    %swap3A_56 = arith.constant 0 : index
    %swap3A_57 = arith.constant 0 : index
    %swap3A_58 = vector.load %arg6[%swap3A, %swap3A_56, %swap3A_57] : memref<1x1x96xf32, #tpu.memory_space<vmem>>, vector<1x1x96xf32>
    %swap3A_59 = vector.shape_cast %swap3A_58 : vector<1x1x96xf32> to vector<1x96xf32>
    %swap3A_60 = vector.shape_cast %concatenate3A : vector<1x96xf32> to vector<1x1x96xf32>
    tpu.vector_store %arg6[%swap3A, %swap3A_56, %swap3A_57], %swap3A_60 {strides = array<i32>} : memref<1x1x96xf32, #tpu.memory_space<vmem>>, vector<1x1x96xf32>,
    return
  }
  func.func @transform_0(%arg0: i32) -> (i32, i32) {
    %c0_i32 = arith.constant 0 : i32
    %c0_i32_0 = arith.constant 0 : i32
    %c0_i32_1 = arith.constant 0 : i32
    return %c0_i32, %c0_i32_0 : i32, i32
  }
  func.func @transform_1(%arg0: i32) -> (i32, i32) {
    %c0_i32 = arith.constant 0 : i32
    %c0_i32_0 = arith.constant 0 : i32
    %c0_i32_1 = arith.constant 0 : i32
    return %c0_i32, %c0_i32_0 : i32, i32
  }
  func.func @transform_2(%arg0: i32) -> (i32, i32) {
    %c0_i32 = arith.constant 0 : i32
    %c0_i32_0 = arith.constant 0 : i32
    return %arg0, %c0_i32 : i32, i32
  }
  func.func @transform_3(%arg0: i32) -> (i32, i32, i32) {
    %c0_i32 = arith.constant 0 : i32
    %c0_i32_0 = arith.constant 0 : i32
    %c0_i32_1 = arith.constant 0 : i32
    return %arg0, %c0_i32, %c0_i32_0 : i32, i32, i32
  }
  func.func @transform_4(%arg0: i32) -> (i32, i32, i32) {
    %c0_i32 = arith.constant 0 : i32
    %c0_i32_0 = arith.constant 0 : i32
    %c0_i32_1 = arith.constant 0 : i32
    return %arg0, %c0_i32, %c0_i32_0 : i32, i32, i32
  }
  func.func @transform_5(%arg0: i32) -> (i32, i32, i32) {
    %c0_i32 = arith.constant 0 : i32
    %c0_i32_0 = arith.constant 0 : i32
    %c0_i32_1 = arith.constant 0 : i32
    return %arg0, %c0_i32, %c0_i32_0 : i32, i32, i32
  }
}

module attributes {stable_mosaic.version = 14 : i64} {
  func.func @_combine_body(%arg0: memref<71x96xf32, #tpu.memory_space<vmem>>, %arg1: memref<1x64xf32, #tpu.memory_space<vmem>>) attributes {dimension_semantics = [], scalar_prefetch = 0 : i64, scratch_operands = 0 : i64, tpu.core_type = #tpu.core_type<tc>} {
    %get3A = arith.constant 0 : index
    %get3A_0 = arith.constant 0 : index
    %get3A_1 = vector.load %arg0[%get3A, %get3A_0] : memref<71x96xf32, #tpu.memory_space<vmem>>, vector<71x96xf32>
    %slice3A = vector.extract_strided_slice %get3A_1 {offsets = [0, 0], sizes = [71, 64], strides = [1, 1]} : vector<71x96xf32> to vector<71x64xf32>
    %slice3A_2 = vector.extract_strided_slice %get3A_1 {offsets = [0, 64], sizes = [71, 16], strides = [1, 1]} : vector<71x96xf32> to vector<71x16xf32>
    %reduce_sum3A = arith.constant dense<0.000000e+00> : vector<71xf32>
    %reduce_sum3A_3 = vector.multi_reduction <add>, %slice3A_2, %reduce_sum3A [1] : vector<71x16xf32> to vector<71xf32>
    %slice3A_4 = vector.extract_strided_slice %get3A_1 {offsets = [0, 80], sizes = [71, 1], strides = [1, 1]} : vector<71x96xf32> to vector<71x1xf32>
    %squeeze3A = vector.shape_cast %slice3A_4 : vector<71x1xf32> to vector<71xf32>
    %reduce_max3A = vector.shape_cast %squeeze3A : vector<71xf32> to vector<1x71xf32>
    %reduce_max3A_5 = arith.constant dense<0xFF800000> : vector<1xf32>
    %reduce_max3A_6 = vector.multi_reduction <maximumf>, %reduce_max3A, %reduce_max3A_5 [1] : vector<1x71xf32> to vector<1xf32>
    %reduce_max3A_7 = vector.shape_cast %reduce_max3A_6 : vector<1xf32> to vector<1x1xf32>
    %reduce_max3A_8 = vector.extract %reduce_max3A_7[0, 0] : f32 from vector<1x1xf32>
    %sub3A = vector.broadcast %reduce_max3A_8 : f32 to vector<71xf32>
    %sub3A_9 = arith.subf %squeeze3A, %sub3A : vector<71xf32>
    %exp3A = math.exp %sub3A_9 : vector<71xf32>
    %mul3A = arith.mulf %reduce_sum3A_3, %exp3A : vector<71xf32>
    %reduce_sum3A_10 = vector.shape_cast %mul3A : vector<71xf32> to vector<1x71xf32>
    %reduce_sum3A_11 = arith.constant dense<0.000000e+00> : vector<1xf32>
    %reduce_sum3A_12 = vector.multi_reduction <add>, %reduce_sum3A_10, %reduce_sum3A_11 [1] : vector<1x71xf32> to vector<1xf32>
    %reduce_sum3A_13 = vector.shape_cast %reduce_sum3A_12 : vector<1xf32> to vector<1x1xf32>
    %reduce_sum3A_14 = vector.extract %reduce_sum3A_13[0, 0] : f32 from vector<1x1xf32>
    %broadcast_in_dim3A = vector.shape_cast %exp3A : vector<71xf32> to vector<71x1xf32>
    %mul3A_15 = vector.broadcast %broadcast_in_dim3A : vector<71x1xf32> to vector<71x64xf32>
    %mul3A_16 = arith.mulf %slice3A, %mul3A_15 : vector<71x64xf32>
    %reduce_sum3A_17 = arith.constant dense<0.000000e+00> : vector<64xf32>
    %reduce_sum3A_18 = vector.multi_reduction <add>, %mul3A_16, %reduce_sum3A_17 [0] : vector<71x64xf32> to vector<64xf32>
    %gt3A = arith.constant 0.000000e+00 : f32
    %gt3A_19 = arith.cmpf ogt, %reduce_sum3A_14, %gt3A : f32
    %gt3A_20 = arith.constant 0.000000e+00 : f32
    %gt3A_21 = arith.cmpf ogt, %reduce_sum3A_14, %gt3A_20 : f32
    %jit3A = arith.constant 1.000000e+00 : f32
    %select_n3A = arith.select %gt3A_21, %reduce_sum3A_14, %jit3A : f32
    %div3A = vector.broadcast %select_n3A : f32 to vector<64xf32>
    %div3A_22 = arith.divf %reduce_sum3A_18, %div3A : vector<64xf32>
    %jit3A_23 = arith.constant 0.000000e+00 : f32
    %broadcast_in_dim3A_24 = vector.broadcast %jit3A_23 : f32 to vector<64xf32>
    %select_n3A_25 = arith.select %gt3A_19, %div3A_22, %broadcast_in_dim3A_24 : vector<64xf32>
    %reshape3A = vector.shape_cast %select_n3A_25 : vector<64xf32> to vector<1x64xf32>
    %swap3A = arith.constant 0 : index
    %swap3A_26 = arith.constant 0 : index
    %swap3A_27 = vector.load %arg1[%swap3A, %swap3A_26] : memref<1x64xf32, #tpu.memory_space<vmem>>, vector<1x64xf32>
    tpu.vector_store %arg1[%swap3A, %swap3A_26], %reshape3A {strides = array<i32>} : memref<1x64xf32, #tpu.memory_space<vmem>>, vector<1x64xf32>,
    return
  }
}

</mosaic_0001>

<sc_bundles>
// kernel: kernel.5.cloned.1.call-start
scs
__scs_entry_jumppad:
0x0: {  	(pc) =	sbr.rel $0x88, $3  }
0x1: {  	(tag) =	ssettag $0x0;
	lr =	simm.s32 $0x1  }
0x2: {  	[smem:$0x3F9C] =	sst lr;
	_ =	strace $0xD0000000  }
0x3: {  	_ = 	snop  }
0x4: {  	_ = 	snop  }
0x5: {  	_ = 	snop  }
0x6: {  	_ = 	snop  }
0x7: {  	_ = 	snop  }
__scs_overlays_trampoline_lowered:
0x8: {  	[smem:$0x3FAB] =	sst s0  }
0x9: {  	[smem:$0x3FAC] =	sst s1  }
0xa: {  	[smem:$0x3FAD] =	sst s2  }
0xb: {  	[smem:$0x3FAE] =	sst s3  }
0xc: {  	[smem:$0x3FAF] =	sst s4  }
0xd: {  	[smem:$0x3FB0] =	sst s5  }
0xe: {  	[smem:$0x3FB1] =	sst s6  }
0xf: {  	[smem:$0x3FB2] =	sst s7  }
0x10: {  	[smem:$0x3FB3] =	sst s8  }
0x11: {  	[smem:$0x3FB4] =	sst s9;
	s0 =	simm.s32 @!p0 $0x0  }
0x12: {  	s1 =	sld [smem:$0x3F9A];
	s0 =	simm.s32 @p0 $0x1  }
0x13: {  	[smem:$0x3FB5] =	sst s0;
	s0 =	simm.s32 @!p1 $0x0  }
0x14: {  	s2 =	sld [smem:$0x3F99];
	s0 =	simm.s32 @p1 $0x1  }
0x15: {  	[smem:$0x3FB6] =	sst s0;
	s0 =	simm.s32 @!p2 $0x0  }
0x16: {  	s3 =	sld [smem:$0x3FDB];
	s0 =	simm.s32 @p2 $0x1  }
0x17: {  	s4 =	simm.s32 $0x1BF5;
	[smem:$0x3FB8] =	sst s0  }
0x18: {  	s0 =	sld [smem:$0x3F9B];
	_ =	swait.ge [sflag:s4], $0x0  }
0x19: {  	s7 =	sld [smem:$0x3F9C]  }
0x1a: {  	s8 =	sadd.s32 $0xFFFFE003, lr  }
0x1b: {  	s9 =	sadd.s32 $0xFFFFFEF7, lr;
	s5 =	simm.s32 $0xFFFFFFFF;
	p2 =	slt.u32 s8, $0xFFFFF086  }
0x1c: {  	p1 =	slt.u32 s9, $0xF7A;
	s5 =	simm.s32 @!p2 $0x0  }
0x1d: {  	s5 =	simm.s32 @p1 $0x1;
	p0 =	seq.s32 s7, s2  }
0x1e: {  	s7 =	smul.u32 @!p0 $0xF7A, s2;
	p2 =	seq.s32 @!p0 s5, $0x0  }
0x1f: {  	s9 =	smul.u32 $0xF7A, s1;
	s8 =	simm.s32 @!p0 $0x1BF5;
	p2 =	por !p2, p0  }
0x20: {  	[sflag:s8] =	ssyncset.s32 @!p0 $0xFFFFF086;
	s6 =	sadd.s32 @!p0 s3, s7;
	s7 =	simm.s32 @!p0 $0x108  }
0x21: {  	s3 =	sadd.s32 s3, s9;
	s6 =	sadd.s32 @!p0 $0x88, s6;
	s7 =	simm.s32 @p2 $0x1082  }
0x22: {  	[simem:s7], [sflag:s8] =	dma.local @!p0 [hbm:s6], $0xF7A  }
0x23: {  	s9 =	sor.u32 $0xD0000000, s2;
	s6 =	simm.s32 $0x108;
	_ =	swait.ge @!p0 [sflag:s8], $0x0  }
0x24: {  	s3 =	sadd.s32 $0x88, s3;
	s6 =	simm.s32 @!p1 $0x1082;
	[sflag:s4] =	ssyncset.s32 $0xFFFFF086  }
0x25: {  	[simem:s6], [sflag:s4] =	dma.local [hbm:s3], $0xF7A  }
0x26: {  	[smem:$0x3F9C] =	sst s1;
	(tag) =	ssettag s2;
	_ =	strace s9  }
0x27: {  	s1 =	sld [smem:$0x3FAC]  }
0x28: {  	s2 =	sld [smem:$0x3FAD]  }
0x29: {  	s4 =	sld [smem:$0x3FAF]  }
0x2a: {  	p0 =	seq.s32 s5, $0x0;
	s5 =	sld [smem:$0x3FB0]  }
0x2b: {  	s6 =	sld [smem:$0x3FB1]  }
0x2c: {  	s7 =	sld [smem:$0x3FB2]  }
0x2d: {  	s3 =	simm.s32 $0x108;
	s8 =	sld [smem:$0x3FB3]  }
0x2e: {  	s3 =	simm.s32 @!p0 $0x1082;
	s9 =	sld [smem:$0x3FB4]  }
0x2f: {  	lr =	sadd.s32 s0, s3;
	s0 =	sld [smem:$0x3FAB]  }
0x30: {  	s3 =	sld [smem:$0x3FAE]  }
0x31: {  	[smem:$0x3FB7] =	sst s10  }
0x32: {  	s10 =	sld [smem:$0x3FB5];
	_ =	sdelay $0x3  }
0x33: {  	p0 =	seq.s32 s10, $0x1;
	s10 =	sld [smem:$0x3FB7];
	_ =	sdelay $0x3  }
0x34: {  	[smem:$0x3FB7] =	sst s10  }
0x35: {  	s10 =	sld [smem:$0x3FB6];
	_ =	sdelay $0x3  }
0x36: {  	p1 =	seq.s32 s10, $0x1;
	s10 =	sld [smem:$0x3FB7];
	_ =	sdelay $0x3  }
0x37: {  	[smem:$0x3FB7] =	sst s10  }
0x38: {  	s10 =	sld [smem:$0x3FB8]  }
0x39: {  	_ = 	snop;
	(pc) =	sbr.ind lr, $3  }
0x3a: {  	_ = 	snop  }
0x3b: {  	_ = 	snop  }
0x3c: {  	p2 =	seq.s32 s10, $0x1;
	s10 =	sld [smem:$0x3FB7]  }
0x3d: {  	_ =	shalt  }
0x3e: {  	_ =	shalt  }
0x3f: {  	_ =	shalt  }
0x40: {  	_ =	shalt  }
0x41: {  	_ =	shalt  }
0x42: {  	_ =	shalt  }
0x43: {  	_ =	shalt  }
0x44: {  	_ =	shalt  }
0x45: {  	_ =	shalt  }
0x46: {  	_ =	shalt  }
0x47: {  	_ =	shalt  }
0x48: {  	_ =	shalt  }
0x49: {  	_ =	shalt  }
0x4a: {  	_ =	shalt  }
0x4b: {  	_ =	shalt  }
0x4c: {  	_ =	shalt  }
0x4d: {  	_ =	shalt  }
0x4e: {  	_ =	shalt  }
0x4f: {  	_ =	shalt  }
0x50: {  	_ =	shalt  }
0x51: {  	_ =	shalt  }
0x52: {  	_ =	shalt  }
0x53: {  	_ =	shalt  }
0x54: {  	_ =	shalt  }
0x55: {  	_ =	shalt  }
0x56: {  	_ =	shalt  }
0x57: {  	_ =	shalt  }
0x58: {  	_ =	shalt  }
0x59: {  	_ =	shalt  }
0x5a: {  	_ =	shalt  }
0x5b: {  	_ =	shalt  }
0x5c: {  	_ =	shalt  }
0x5d: {  	_ =	shalt  }
0x5e: {  	_ =	shalt  }
0x5f: {  	_ =	shalt  }
0x60: {  	_ =	shalt  }
0x61: {  	_ =	shalt  }
0x62: {  	_ =	shalt  }
0x63: {  	_ =	shalt  }
0x64: {  	_ =	shalt  }
0x65: {  	_ =	shalt  }
0x66: {  	_ =	shalt  }
0x67: {  	_ =	shalt  }
0x68: {  	_ =	shalt  }
0x69: {  	_ =	shalt  }
0x6a: {  	_ =	shalt  }
0x6b: {  	_ =	shalt  }
0x6c: {  	_ =	shalt  }
0x6d: {  	_ =	shalt  }
0x6e: {  	_ =	shalt  }
0x6f: {  	_ =	shalt  }
0x70: {  	_ =	shalt  }
0x71: {  	_ =	shalt  }
0x72: {  	_ =	shalt  }
0x73: {  	_ =	shalt  }
0x74: {  	_ =	shalt  }
0x75: {  	_ =	shalt  }
0x76: {  	_ =	shalt  }
0x77: {  	_ =	shalt  }
0x78: {  	_ =	shalt  }
0x79: {  	_ =	shalt  }
0x7a: {  	_ =	shalt  }
0x7b: {  	_ =	shalt  }
0x7c: {  	_ =	shalt  }
0x7d: {  	_ =	shalt  }
0x7e: {  	_ =	shalt  }
0x7f: {  	_ =	shalt  }
0x80: {  	_ =	shalt  }
0x81: {  	_ =	shalt  }
0x82: {  	_ =	shalt  }
0x83: {  	_ =	shalt  }
0x84: {  	_ =	shalt  }
0x85: {  	_ =	shalt  }
0x86: {  	_ =	shalt  }
0x87: {  	_ =	shalt  }
.Lfunc_end0:
.L_simem_size_0:
called_computation_lowered:
.L_overlay_start_0:
0x88: {  	s2 =	sld [smem:$0x3FD9]  }
0x89: {  	s3 =	sld [smem:$0x3FFE];
	_ =	sdelay $0x1  }
0x8a: {  	s1 =	srdreg.scid  }
0x8b: {  	s0 =	sand.u32 $0x1, s1  }
0x8c: {  	s17 =	sshll.u32 s0, $0xA;
	s2 =	sadd.s32 s3, s2  }
0x8d: {  	s2 =	sadd.s32 s2, s17  }
0x8e: {  	[smem:$0x3FC3] =	sst s2  }
0x8f: {  	_ = 	snop  }
0x90: {  	s2 =	sld [smem:$0x3FC9]  }
0x91: {  	s18 =	sld [smem:$0x3FC6];
	(tm) =	ssettm $0x1  }
0x92: {  	s4 =	sld [smem:$0x3FFB];
	_ =	sdelay $0x3  }
0x93: {  	_ =	strace s4  }
0x94: {  	s4 =	sld [smem:$0x3FFC];
	_ =	sdelay $0x3  }
0x95: {  	_ =	strace s4  }
0x96: {  	s4 =	sld [smem:$0x3FFD];
	_ =	sdelay $0x3  }
0x97: {  	_ =	strace s4  }
0x98: {  	_ =	strace $0x8FFFFFFF  }
0x99: {  	s19 =	sld [smem:$0x3FDB];
	_ =	sdelay $0x1  }
0x9a: {  	s5 =	simm.s32 $_scs_section_size  }
0x9b: {  	s6 =	simm.s32 $_size__tile_overlayer_lowered;
	s7 =	simm.s32 $_tile_overlayer_lowered  }
0x9c: {  	s22 =	simm.s32 $0x1BFF;
	s21 =	sshll.u32 s7, $0x1;
	s4 =	sadd.s32 s5, s19  }
0x9d: {  	s8 =	simm.s32 $0x0;
	s20 =	sshll.u32 s6, $0x1;
	s6 =	sadd.s32 s21, s4  }
0x9e: {  	[timem:s8], [sflag:s22] =	dma.local [hbm:s6], s20  }
0x9f: {  	_ =	swait.ge [sflag:s22], s20  }
0xa0: {  	s5 =	ssub.s32 $0x0, s20;
	[sflag:s22] =	ssyncset.done $0x0  }
0xa1: {  	[sflag:s22] =	ssyncadd.s32 s5;
	_ =	sdelay $0x1  }
0xa2: {  	s23 =	simm.s32 $0x1B8B  }
0xa3: {  	_ =	swait.ge [sflag:s23], $0x1  }
0xa4: {  	[sflag:s23] =	ssyncset.done $0x0  }
0xa5: {  	s25 =	simm.s32 $0x1B8E;
	s24 =	sld [smem:$0x3FFE];
	[sflag:s23] =	ssyncadd.s32 $0xFFFFFFFF  }
0xa6: {  	s26 =	simm.s32 $execute0_lowered;
	[smem:$0x3FD2] =	sst s25  }
0xa7: {  	s6 =	sshll.u32 s26, $0x1;
	_ =	strace $0x80000046;
	[dreg:$0x1] =	wrdreg $0xFFFFFFFF  }
0xa8: {  	s28 =	simm.s32 $_size_execute0_lowered;
	s4 =	sadd.s32 s4, s6;
	[dreg:$0x0] =	wrdreg $0x0  }
0xa9: {  	s6 =	sshll.u32 s28, $0x1;
	[dreg:$0x2] =	wrdreg s4  }
0xaa: {  	[dreg:$0x3] =	wrdreg s6  }
0xab: {  	[dreg:$0x4] =	wrdreg $0xC0  }
0xac: {  	_ =	task [dreg:s8], $0x5FFFF  }
0xad: {  	[dreg:$0x1] =	wrdreg $0xFFFFFFFF  }
0xae: {  	[dreg:$0x0] =	wrdreg $0x60  }
0xaf: {  	[dreg:$0x2] =	wrdreg s2  }
0xb0: {  	[dreg:$0x3] =	wrdreg s24  }
0xb1: {  	[dreg:$0x4] =	wrdreg s18  }
0xb2: {  	[dreg:$0x5] =	wrdreg $0x9  }
0xb3: {  	_ =	task.clear_ibuf [dreg:s8], $0x6FFFF;
	_ =	strace $0x90000046  }
0xb4: {  	s29 =	simm.s32 $0x9;
	_ =	strace $0x80000048  }
0xb5: {  	_ =	swait.ge [sflag:s29], $0x1  }
0xb6: {  	[sflag:s29] =	ssyncadd.s32 $0xFFFFFFFF  }
0xb7: {  	_ =	strace $0x90000048  }
0xb8: {  	_ =	sfence  }
0xb9: {  	s30 =	sld [smem:$0x0];
	_ =	sdelay $0x2  }
0xba: {  	s31 =	sshll.u32 s1, $0xD;
	s1 =	sshrl.u32 s1, $0x2  }
0xbb: {  	s3 =	sand.u32 $0x4000, s31;
	s1 =	sadd.s32 s1, s30  }
0xbc: {  	s0 =	sor.u32 s3, s0;
	s1 =	sshll.u32 s1, $0x11  }
0xbd: {  	s0 =	sor.u32 s1, s0  }
0xbe: {  	s0 =	sadd.s32 $0x8F2B, s0  }
0xbf: {  	[sflag:s0] =	ssyncadd.remote.s32 $0x1  }
0xc0: {  	_ =	sfence.sel $0xFFFF  }
0xc1: {  	[dreg:$0x0] =	wrdreg $0xFFFFFFFF;
	(pc) =	sbr.abs _section_cstart, $3  }
0xc2: {  	[dreg:$0x1] =	wrdreg $0xFFFFFFFF  }
0xc3: {  	_ =	task.clear_ibuf [dreg:s8], $0x2FFFF;
	_ =	strace $0x9FFFFFFF  }
0xc4: {  	(tm) =	ssettm $0x7FFFFFFF  }
0xc5: {  	_ =	shalt  }
tec
execute0_lowered:
.L_overlay_start_1:
0x0: {  	(tag) =	ssettag $0x1  }
0x1: {  	s1 =	rddreg [dreg:$0x0];
	s2 =	srdreg.scid  }
0x2: {  	s0 =	stileid.u32;
	s5 =	rddreg [dreg:$0x1]  }
0x3: {  	s7 =	rddreg [dreg:$0x2];
	s3 =	simm.s32 $0x0;
	s13 =	simm.s32 $0x19100  }
0x4: {  	s14 =	simm.s32 $0x19480;
	s15 =	simm.s32 $0x1;
	s16 =	simm.s32 $0x2  }
0x5: {  	s17 =	simm.s32 $0x3;
	s6 =	sand.u32 $0x1, s2;
	s31 =	sshll.u32 s0, $0x1  }
0x6: {  	s18 =	simm.s32 $0x19800;
	s2 =	rddreg [dreg:$0x3];
	s8 =	sor.u32 s6, s31  }
0x7: {  	s19 =	simm.s32 $0x0;
	[smem:$0x7FF] =	sst s3;
	s4 =	sor.u32 $0x9C0, s8  }
0x8: {  	p0 =	sgt.u32 s0, $0x1;
	_ =	strace $0x80000047;
	s9 =	smul.u32 $0x1900, s4  }
0x9: {  	s6 =	ssub.s32 $0x2, s6;
	s8 =	sshll.u32 s8, $0x4;
	s10 =	smul.u32 $0x32, s4  }
.Ltmp0:
0xa: {  	s12 =	sshrl.u32 s6, $0x1;
	s8 =	sadd.s32 s8, s5;
	(pc) =	sbr.rel .LBB2_1-.Ltmp0, $4  }
0xb: {  	s4 =	sadd.s32 $0xF61A00, s5;
	s12 =	ssub.s32 s6, s12;
	s8 =	sadd.s32 $0xF61C00, s8  }
0xc: {  	vm0 =	vmmov $0x1;
	vm1 =	vcmask $0x320;
	vm2 =	vcmask $0x720;
	s9 =	sadd.s32 s9, s5;
	s11 =	sadd.s32 s10, s5;
	s6 =	sadd.s32 s7, s10  }
0xd: {  	vm3 =	vcmask $0xB20;
	vm4 =	vcmask $0xF20;
	vm5 =	vcmask $0x1320;
	s10 =	simm.s32 $0x7;
	s5 =	sadd.s32 $0xC00, s9;
	s7 =	sadd.s32 $0xF43000, s11  }
0xe: {  	vm6 =	vcmask $0x1720;
	vm7 =	vcmask $0x1B20;
	v32 =	vimm.f32 $0.0e+00;
	s9 =	smax.u32 s12, $0x1;
	s11 =	simm.s32 $0x80;
	s12 =	simm.s32 $0x100  }
.LBB2_4:
0xf: {  	(xrf2) =	vadd.scan.msk.f32 $0xffff, v10  }
0x10: {  	(xrf2) =	vadd.scan.msk.f32 $0xffff, v12;
	_ =	sdelay $0x3  }
0x11: {  	s22 =	sshra.s32 s23, $0x2;
	v39 =	vld [tilespmem:$0x1FF70]  }
0x12: {  	v42 =	vld [tilespmem:s22+$0x19100]  }
0x13: {  	v20 =	vbroadcast v13, $0xF;
	v24, _, _ =	vpop (xrf2)  }
0x14: {  	v13 =	vbroadcast v24, $0xF;
	v15, _, _ =	vpop (xrf2)  }
0x15: {  	v31 =	vld [tilespmem:s22+$0x19480];
	v11 =	vsel vm2, v11, v20;
	v29 =	vbroadcast v15, $0xF  }
0x16: {  	v37 =	vbroadcast v17, $0xF;
	v11 =	vsel vm3, v11, v13;
	v16, _, _ =	vpop (xrf2)  }
0x17: {  	v10 =	vsub.f32 v39, v42;
	v11 =	vsel vm4, v11, v29;
	v41 =	vbroadcast v16, $0xF;
	v42, _, _ =	vpop (xrf2)  }
0x18: {  	v11 =	vsel vm5, v11, v37;
	v19 =	vbroadcast v42, $0xF  }
0x19: {  	v10 =	vand.u32 $0x7FFFFFFF, v10;
	v11 =	vsel vm6, v11, v41  }
0x1a: {  	vm8 =	vgt.f32 v31, $5.000000000e-01;
	vm9 =	vle.f32 v10, $1.000000000e+00;
	v20 =	vsel vm7, v11, v19  }
0x1b: {  	vm8 =	vmand vm8, vm9;
	vm15 =	vge.f32 v20, $8.999999760e-01;
	v10 =	vmul.f32 $1.000000000e+01, v20  }
0x1c: {  	vm8 =	vmand vm15, vm8  }
0x1d: {  	v10 =	vnsel vm8, $0xF149F2CA, v10  }
0x1e: {  	(xrf0) =	vmax.scan.msk.f32 $0xffff, v10;
	_ =	sdelay $0x5  }
0x1f: {  	v24, _, _ =	vpop (xrf0)  }
0x20: {  	(v2sf) =	vpush v24, $0xF;
	_ =	sdelay $0x2  }
0x21: {  	v12 =	vpop (erf)  }
0x22: {  	v18 =	vbroadcast v9, $0x1;
	v6 =	vmul.f32 v12, v6  }
0x23: {  	v7 =	vmul.f32 v12, v7;
	v29 =	vbroadcast v9, $0x0;
	v41 =	vld [tilespmem:$0x1FE70]  }
0x24: {  	v31 =	vmul.f32 v12, v14;
	v37 =	vbroadcast v9, $0x2;
	v42 =	vld [tilespmem:$0x1FEB0]  }
0x25: {  	v14 =	vmul.f32 v29, v28;
	v15 =	vmul.f32 v29, v23;
	v19 =	vld [tilespmem:$0x1FEA0]  }
0x26: {  	v39 =	vmul.f32 v29, v21;
	v11 =	vmul.f32 v29, v22;
	v29 =	vld [tilespmem:$0x1FEE0]  }
0x27: {  	v2 =	vmul.f32 v12, v46;
	v8 =	vmul.f32 v12, v8;
	v24 =	vld [tilespmem:$0x1FE90]  }
0x28: {  	v16 =	vmul.f32 v37, v27;
	v17 =	vmul.f32 v18, v41;
	v41 =	vld [tilespmem:$0x1FED0]  }
0x29: {  	v28 =	vld [tilespmem:$0x1FEC0];
	v13 =	vadd.f32 v39, v31;
	v39 =	vbroadcast v9, $0x5;
	v20 =	vbroadcast v9, $0x3  }
0x2a: {  	v6 =	vadd.f32 v14, v6;
	v21 =	vmul.f32 v37, v42;
	v19 =	vmul.f32 v37, v19  }
0x2b: {  	v42 =	vld [tilespmem:$0x1FEF0];
	v23 =	vmul.f32 v20, v29;
	v29 =	vmul.f32 v39, v26;
	v13 =	vadd.f32 v13, v17  }
0x2c: {  	v8 =	vadd.f32 v15, v8;
	v26 =	vmul.f32 v18, v38;
	v22 =	vmul.f32 v37, v24;
	v37 =	vld [tilespmem:$0x1FF00]  }
0x2d: {  	v7 =	vadd.f32 v11, v7;
	v13 =	vadd.f32 v13, v16;
	v16 =	vmul.f32 v20, v41;
	s31 =	spop (v2sf)  }
0x2e: {  	v17 =	vmul.f32 v20, v28;
	v28 =	vmul.f32 v39, v43;
	v6 =	vadd.f32 v6, v26;
	s20 =	smax.f32 s20, s31  }
0x2f: {  	v13 =	vadd.f32 v13, v16;
	v24 =	vbroadcast v9, $0x4;
	v31 =	vmov s20;
	s21 =	ssub.f32 s21, s20  }
0x30: {  	v16 =	vmul.f32 v39, v30;
	v30 =	vmul.f32 v39, v45;
	v10 =	vsub.f32 v10, v31  }
0x31: {  	v27 =	vmul.f32 v20, v37;
	v20 =	vmul.f32 v24, v42;
	v31 =	vmov s21  }
0x32: {  	v6 =	vadd.f32 v6, v21;
	v10 =	vmul.f32 $1.442695020e+00, v10;
	v38 =	vmul.f32 $1.442695020e+00, v31  }
0x33: {  	v41 =	vld [tilespmem:$0x1FF10];
	v39 =	vbroadcast v9, $0x6;
	v37 =	vmul.f32 v18, v36;
	v45 =	vadd.f32 v13, v20  }
0x34: {  	v6 =	vadd.f32 v6, v23;
	v23 =	vld [tilespmem:$0x1FE60];
	(erf) = vpow2.f32 v10;
	v42 =	vbroadcast v38, $0x0  }
0x35: {  	v18 =	vmul.f32 v18, v44;
	v7 =	vadd.f32 v7, v37;
	v10 =	vadd.f32 v45, v28;
	v45 =	vld [tilespmem:$0x1FE80]  }
0x36: {  	v26 =	vld [tilespmem:$0x1FF20];
	v43 =	vmul.f32 v24, v34;
	(erf) = vpow2.f32 v42  }
0x37: {  	v46 =	vbroadcast v9, $0x7;
	v8 =	vadd.f32 v8, v18;
	v7 =	vadd.f32 v7, v22;
	v22 =	vld [tilespmem:$0x1FF30]  }
0x38: {  	v2 =	vadd.f32 v9, v2;
	v21 =	vld [tilespmem:$0x1FF60];
	v11 =	vmul.f32 v39, v41;
	v6 =	vadd.f32 v6, v43  }
0x39: {  	v15 =	vmul.f32 v39, v23;
	v44 =	vmul.f32 v24, v35;
	v8 =	vadd.f32 v8, v19;
	v28 =	vld [tilespmem:$0x1FF40]  }
0x3a: {  	v35 =	vmul.f32 v39, v33;
	v6 =	vadd.f32 v6, v29;
	v13 =	vmul.f32 v24, v45;
	v24 =	vld [tilespmem:$0x1FF50]  }
0x3b: {  	v18 =	vsel vm8, $0x3F800000, v32;
	v7 =	vadd.f32 v7, v17;
	v8 =	vadd.f32 v8, v27  }
0x3c: {  	v6 =	vadd.f32 v6, v15;
	v14 =	vmul.f32 v46, v22;
	v10 =	vadd.f32 v10, v11  }
0x3d: {  	v17 =	vmul.f32 v39, v26;
	v8 =	vadd.f32 v8, v44;
	v7 =	vadd.f32 v7, v13;
	v20 =	vpop (erf)  }
0x3e: {  	v10 =	vadd.f32 v10, v14;
	v13 =	vmul.f32 v46, v21;
	v11 =	vmul.f32 v20, v18  }
0x3f: {  	v9 =	vmul.f32 v46, v28;
	v7 =	vadd.f32 v7, v16;
	v16 =	vmul.f32 v46, v24;
	v29 =	vpop (erf)  }
0x40: {  	v6 =	vadd.f32 v6, v13;
	v34 =	vbroadcast v11, $0x0;
	v10 =	vmul.f32 v29, v10  }
0x41: {  	v8 =	vadd.f32 v8, v30;
	v36 =	vbroadcast v11, $0x1;
	v37 =	vbroadcast v11, $0x2  }
0x42: {  	v42 =	vbroadcast v11, $0x3;
	v6 =	vmul.f32 v29, v6  }
0x43: {  	v8 =	vadd.f32 v8, v35;
	v4 =	vmul.f32 v34, v4;
	v0 =	vmul.f32 v34, v0  }
0x44: {  	v7 =	vadd.f32 v7, v17;
	v3 =	vmul.f32 v34, v3;
	v38 =	vmul.f32 v34, v62  }
0x45: {  	v39 =	vmul.f32 v37, v25;
	v41 =	vmul.f32 v36, v48;
	v0 =	vadd.f32 v0, v10  }
0x46: {  	v7 =	vadd.f32 v7, v9;
	v1 =	vmul.f32 v37, v1;
	v43 =	vmul.f32 v37, v56  }
0x47: {  	v17 =	vmul.f32 v37, v51;
	v46 =	vmul.f32 v42, v55;
	v51 =	vld [tilespmem:$0x1FFC0];
	v0 =	vadd.f32 v0, v41  }
0x48: {  	v8 =	vadd.f32 v8, v16;
	v18 =	vmul.f32 v42, v47;
	v47 =	vbroadcast v11, $0x4  }
0x49: {  	v48 =	vmul.f32 v36, v53;
	v7 =	vmul.f32 v29, v7;
	v0 =	vadd.f32 v0, v17  }
0x4a: {  	v8 =	vmul.f32 v29, v8;
	v55 =	vld [tilespmem:$0x1FF80];
	v4 =	vadd.f32 v4, v6;
	v6 =	vmul.f32 v36, v57  }
0x4b: {  	v5 =	vmul.f32 v47, v5;
	v7 =	vadd.f32 v38, v7;
	v0 =	vadd.f32 v0, v18  }
0x4c: {  	v3 =	vadd.f32 v3, v8;
	v4 =	vadd.f32 v4, v6;
	v9 =	vmul.f32 v36, v51  }
0x4d: {  	v6 =	vbroadcast v11, $0x5;
	v0 =	vadd.f32 v0, v5;
	v5 =	vadd.f32 v7, v48  }
0x4e: {  	v44 =	vmul.f32 v42, v59;
	v45 =	vmul.f32 v42, v58;
	v3 =	vadd.f32 v3, v9  }
0x4f: {  	v56 =	vbroadcast v11, $0x6;
	v58 =	vld [tilespmem:$0x1FF90];
	v12 =	vmul.f32 v6, v55;
	v5 =	vadd.f32 v5, v43  }
0x50: {  	v57 =	vld [tilespmem:$0x1FFE0];
	v1 =	vadd.f32 v4, v1;
	v3 =	vadd.f32 v3, v39  }
0x51: {  	v7 =	vld [tilespmem:$0x1FFF0];
	v0 =	vadd.f32 v0, v12;
	v4 =	vadd.f32 v5, v44;
	v5 =	vmul.f32 v56, v52  }
0x52: {  	v53 =	vmul.f32 v47, v61;
	v61 =	vld [tilespmem:$0x1FFD0]  }
0x53: {  	v5 =	vadd.f32 v0, v5;
	v0 =	vadd.f32 v3, v46;
	v3 =	vld [tilespmem:$0x1FFB0]  }
0x54: {  	v59 =	vld [tilespmem:$0x1FFA0]  }
0x55: {  	v14 =	vmul.f32 v47, v57  }
0x56: {  	v2 =	vmul.f32 v29, v2;
	v1 =	vadd.f32 v1, v45;
	v7 =	vmul.f32 v47, v7  }
0x57: {  	v10 =	vmul.f32 v6, v58;
	v8 =	vmul.f32 v56, v61;
	v4 =	vadd.f32 v4, v14  }
0x58: {  	v1 =	vadd.f32 v1, v7;
	v7 =	vadd.f32 v0, v53;
	v3 =	vmul.f32 v6, v3  }
0x59: {  	v0 =	vadd.f32 v11, v2;
	v2 =	vbroadcast v11, $0x7;
	v6 =	vmul.f32 v6, v59  }
0x5a: {  	v9 =	vmul.f32 v56, v40;
	v4 =	vadd.f32 v4, v10;
	v1 =	vadd.f32 v1, v3  }
0x5b: {  	v62 =	vmul.f32 v2, v60;
	v3 =	vmul.f32 v56, v49;
	v6 =	vadd.f32 v7, v6  }
0x5c: {  	v7 =	vmul.f32 v2, v63;
	v63 =	vmul.f32 v2, v50;
	v1 =	vadd.f32 v1, v8  }
0x5d: {  	v11 =	vmul.f32 v2, v54;
	v3 =	vadd.f32 v4, v3;
	v4 =	vadd.f32 v6, v9  }
0x5e: {  	v2 =	vadd.f32 v5, v63;
	v1 =	vadd.f32 v1, v7  }
0x5f: {  	v3 =	vadd.f32 v3, v11;
	v4 =	vadd.f32 v4, v62  }
.LBB2_5:
0x60: {  	[tilespmem:$0x19800] =	vst v1  }
0x61: {  	[tilespmem:$0x19830] =	vst v2  }
0x62: {  	[tilespmem:$0x19840] =	vst v0  }
0x63: {  	s19 =	sadd.s32 $0x1, s19;
	[tilespmem:$0x19810] =	vst v4  }
0x64: {  	v63 =	vmov s20;
	[tilespmem:$0x19820] =	vst v3;
	p1 =	sne.s32 s19, s9  }
.Ltmp1:
0x65: {  	[tilespmem:$0x19850] =	vst v63;
	(pc) =	sbr.rel @!p1 .LBB2_6-.Ltmp1, $4  }
0x66: {  	[hbm4b:s8+s3] =	stream.linear.scatter [tilespmem:s18], [sflag:$0x7], $0x80, $0x38;
	[tilespmem:$0x19880] =	vst v63  }
0x67: {  	_ =	swait.ge [sflag:s10], $0x80  }
0x68: {  	[sflag:s10] =	ssyncset.done $0x0  }
0x69: {  	[sflag:s10] =	ssyncadd.s32 $0xFFFFFF80  }
.LBB2_1:
0x6a: {  	[tilespmem:s3], [sflag:$0x7] =	stream.linear.gather [hbm4b:s1+s3], $0x80, $0x38;
	[tilespmem:$0x19880] =	vst v63  }
0x6b: {  	_ =	swait.ge [sflag:s10], $0x80  }
0x6c: {  	[sflag:s10] =	ssyncset.done $0x0  }
.Ltmp2:
0x6d: {  	[sflag:s10] =	ssyncadd.s32 $0xFFFFFF80;
	(pc) =	sbr.rel @p0 .LBB2_5-.Ltmp2, $4  }
0x6e: {  	[tilespmem:s11], [sflag:$0x7] =	stream.linear.gather [hbm4b:s4+s3], $0x80, $0x38;
	[tilespmem:$0x19880] =	vst v63  }
0x6f: {  	_ =	swait.ge [sflag:s10], $0x80  }
0x70: {  	v0 =	vimm.f32 $0.0e+00;
	v1 =	vimm.f32 $0.0e+00;
	[sflag:s10] =	ssyncset.done $0x0  }
0x71: {  	s20 =	simm.f32 $-1.000000020e+30;
	v4 =	vimm.f32 $0.0e+00;
	v3 =	vimm.f32 $0.0e+00;
	v2 =	vimm.f32 $0.0e+00;
	[sflag:s10] =	ssyncadd.s32 $0xFFFFFF80  }
0x72: {  	v37 =	vld [tilespmem:$0x0]  }
0x73: {  	v39 =	vld [tilespmem:$0x10]  }
0x74: {  	v41 =	vld [tilespmem:$0x20]  }
0x75: {  	v42 =	vld [tilespmem:$0x30];
	s20 =	simm.s32 $0x0  }
0x76: {  	v17 =	vld [tilespmem:$0x80];
	[tilespmem:s12], [sflag:$0x1] =	stream.linear.gather [hbm4b:s5+s20], $0xC800, $0x38  }
0x77: {  	_ = 	snop  }
0x78: {  	[tilespmem:s13], [sflag:$0x2] =	stream.linear.gather [hbm4b:s6+s20], $0x190, $0x38;
	[tilespmem:$0x19880] =	vst v63  }
0x79: {  	_ = 	snop  }
0x7a: {  	[tilespmem:s14], [sflag:$0x3] =	stream.linear.gather [hbm4b:s7+s20], $0x190, $0x38;
	[tilespmem:$0x19880] =	vst v63  }
0x7b: {  	_ =	swait.ge [sflag:s15], $0xC800  }
0x7c: {  	[sflag:s15] =	ssyncset.done $0x0  }
0x7d: {  	[sflag:s15] =	ssyncadd.s32 $0xFFFF3800  }
0x7e: {  	_ =	swait.ge [sflag:s16], $0x190  }
0x7f: {  	[sflag:s16] =	ssyncset.done $0x0  }
0x80: {  	[sflag:s16] =	ssyncadd.s32 $0xFFFFFE70  }
0x81: {  	_ =	swait.ge [sflag:s17], $0x190  }
0x82: {  	[sflag:s17] =	ssyncset.done $0x0  }
0x83: {  	s29 =	simm.s32 $0x300;
	[sflag:s17] =	ssyncadd.s32 $0xFFFFFE70  }
0x84: {  	v34 =	vld [tilespmem:s29+$0x0]  }
0x85: {  	v43 =	vld [tilespmem:s29+$0xB0]  }
0x86: {  	v30 =	vld [tilespmem:s29+$0xA0]  }
0x87: {  	v45 =	vld [tilespmem:s29+$0x90]  }
0x88: {  	v26 =	vld [tilespmem:s29+$0x80]  }
0x89: {  	v33 =	vld [tilespmem:s29+$0x110]  }
0x8a: {  	v5 =	vld [tilespmem:s29+$0x100]  }
0x8b: {  	v10 =	vld [tilespmem:s29+$0x20]  }
0x8c: {  	v11 =	vld [tilespmem:s29+$0xFFFFFFB0]  }
0x8d: {  	v27 =	vld [tilespmem:s29+$0xFFFFFF30]  }
0x8e: {  	v6 =	vld [tilespmem:s29+$0xFFFFFEB0]  }
0x8f: {  	v36 =	vld [tilespmem:s29+$0xFFFFFEA0]  }
0x90: {  	v44 =	vld [tilespmem:s29+$0xFFFFFE90]  }
0x91: {  	v21 =	vld [tilespmem:s29+$0xFFFFFE30]  }
0x92: {  	v22 =	vld [tilespmem:s29+$0xFFFFFE20]  }
0x93: {  	v23 =	vld [tilespmem:s29+$0xFFFFFE10]  }
0x94: {  	v28 =	vld [tilespmem:s29+$0xFFFFFE00]  }
0x95: {  	v38 =	vld [tilespmem:s29+$0xFFFFFE80]  }
0x96: {  	v15 =	vld [tilespmem:s29+$0xFFFFFF20]  }
0x97: {  	v14 =	vld [tilespmem:s29+$0xFFFFFF10]  }
0x98: {  	v18 =	vld [tilespmem:s29+$0xFFFFFF00];
	v0 =	vmul.f32 v43, v42  }
0x99: {  	v12 =	vld [tilespmem:s29+$0xFFFFFFA0];
	v1 =	vmul.f32 v30, v41;
	v2 =	vmul.f32 v45, v39;
	[tilespmem:$0x1FE60] =	vst v5  }
0x9a: {  	v3 =	vmul.f32 v26, v37;
	v4 =	vmul.f32 v34, v37;
	v19 =	vld [tilespmem:s29+$0xFFFFFF90];
	[tilespmem:$0x1FE70] =	vst v6  }
0x9b: {  	v7 =	vmul.f32 v21, v42;
	v8 =	vmul.f32 v23, v39;
	v24 =	vld [tilespmem:s29+$0xFFFFFF80]  }
0x9c: {  	v9 =	vmul.f32 v44, v39;
	v0 =	vadd.f32 v0, v1;
	v2 =	vadd.f32 v2, v3;
	v35 =	vld [tilespmem:s29+$0x10]  }
0x9d: {  	v1 =	vmul.f32 v33, v39;
	v3 =	vmul.f32 v5, v37;
	v20 =	vld [tilespmem:s29+$0x30]  }
0x9e: {  	v6 =	vmul.f32 v6, v42;
	v5 =	vmul.f32 v36, v41;
	v16 =	vld [tilespmem:s29+$0x130];
	[tilespmem:$0x1FE80] =	vst v10;
	v0 =	vadd.f32 v0, v2  }
0x9f: {  	v13 =	vld [tilespmem:s29+$0x120];
	[tilespmem:$0x1FE90] =	vst v15;
	v2 =	vmul.f32 v22, v41;
	v1 =	vadd.f32 v1, v3;
	v3 =	vmul.f32 v28, v37  }
0xa0: {  	v10 =	vmul.f32 v10, v41;
	[tilespmem:$0x1FEA0] =	vst v14;
	v5 =	vadd.f32 v6, v5;
	v6 =	vmul.f32 v38, v37  }
0xa1: {  	v2 =	vadd.f32 v7, v2;
	v3 =	vadd.f32 v8, v3;
	v7 =	vmul.f32 v15, v41;
	v15 =	vld [tilespmem:s29+$0x1B0];
	[tilespmem:$0x1FEB0] =	vst v18  }
0xa2: {  	v6 =	vadd.f32 v9, v6;
	v8 =	vmul.f32 v14, v39;
	v9 =	vmul.f32 v27, v42;
	v14 =	vld [tilespmem:s29+$0x1A0];
	[tilespmem:$0x1FEC0] =	vst v12  }
0xa3: {  	[tilespmem:$0x1FED0] =	vst v11;
	v11 =	vmul.f32 v11, v42;
	v2 =	vadd.f32 v2, v3;
	v3 =	vmul.f32 v18, v37  }
0xa4: {  	v5 =	vadd.f32 v5, v6;
	v6 =	vmul.f32 v12, v41;
	v18 =	vld [tilespmem:s29+$0x190];
	v7 =	vadd.f32 v9, v7;
	[tilespmem:$0x1FEE0] =	vst v24  }
0xa5: {  	v9 =	vmul.f32 v20, v42;
	v3 =	vadd.f32 v8, v3;
	v8 =	vmul.f32 v24, v37;
	v24 =	vld [tilespmem:s29+$0x180]  }
0xa6: {  	v12 =	vmul.f32 v35, v39;
	v6 =	vadd.f32 v11, v6;
	v11 =	vmul.f32 v19, v39  }
0xa7: {  	(xrf2) =	vadd.scan.msk.f32 $0xffff, v0;
	v0 =	vadd.f32 v9, v10  }
0xa8: {  	(xrf2) =	vadd.scan.msk.f32 $0xffff, v2;
	v2 =	vadd.f32 v12, v4;
	v8 =	vadd.f32 v11, v8  }
0xa9: {  	v4 =	vmul.f32 v15, v42;
	v3 =	vadd.f32 v7, v3;
	v10 =	vmul.f32 v14, v41  }
0xaa: {  	(xrf2) =	vadd.scan.msk.f32 $0xffff, v5;
	v5 =	vadd.f32 v6, v8;
	v6 =	vmul.f32 v18, v39;
	v8 =	vmul.f32 v24, v37  }
0xab: {  	v9 =	vmul.f32 v13, v41;
	v7 =	vmul.f32 v16, v42;
	v0 =	vadd.f32 v0, v2;
	(xrf2) =	vadd.scan.msk.f32 $0xffff, v3  }
0xac: {  	v2 =	vadd.f32 v4, v10;
	(xrf2) =	vadd.scan.msk.f32 $0xffff, v5;
	v3 =	vadd.f32 v6, v8  }
0xad: {  	v7 =	vadd.f32 v7, v9;
	(xrf2) =	vadd.scan.msk.f32 $0xffff, v0  }
0xae: {  	v0 =	vadd.f32 v2, v3  }
0xaf: {  	[tilespmem:$0x1FEF0] =	vst v20;
	v1 =	vadd.f32 v7, v1  }
0xb0: {  	[tilespmem:$0x1FF00] =	vst v19  }
0xb1: {  	[tilespmem:$0x1FF10] =	vst v16;
	(xrf2) =	vadd.scan.msk.f32 $0xffff, v1  }
0xb2: {  	[tilespmem:$0x1FF20] =	vst v13;
	(xrf2) =	vadd.scan.msk.f32 $0xffff, v0;
	v0, _, _ =	vpop (xrf2)  }
0xb3: {  	[tilespmem:$0x1FF30] =	vst v15;
	v1, _, _ =	vpop (xrf2)  }
0xb4: {  	[tilespmem:$0x1FF40] =	vst v14;
	v2, _, _ =	vpop (xrf2);
	v1 =	vbroadcast v1, $0xF  }
0xb5: {  	[tilespmem:$0x1FF50] =	vst v18;
	v3, _, _ =	vpop (xrf2);
	v2 =	vbroadcast v2, $0xF  }
0xb6: {  	s30 =	simm.s32 $0x0;
	[tilespmem:$0x1FF60] =	vst v24;
	v1 =	vnsel vm0, $0x0, v1;
	v5, _, _ =	vpop (xrf2)  }
0xb7: {  	v4 =	vld [tilespmem:s30+$0x19100];
	v1 =	vsel vm1, v1, v2;
	v2 =	vbroadcast v5, $0xF;
	v5, _, _ =	vpop (xrf2)  }
0xb8: {  	v3 =	vbroadcast v3, $0xF;
	v5 =	vbroadcast v5, $0xF;
	_ =	sdelay $0x1  }
0xb9: {  	v1 =	vsel vm2, v1, v3;
	v3 =	vld [tilespmem:s30+$0x19480]  }
0xba: {  	v0 =	vbroadcast v0, $0xF;
	v1 =	vsel vm3, v1, v2;
	v2, _, _ =	vpop (xrf2)  }
0xbb: {  	v4 =	vsub.f32 v17, v4;
	v1 =	vsel vm4, v1, v5;
	v2 =	vbroadcast v2, $0xF;
	v5, _, _ =	vpop (xrf2)  }
0xbc: {  	v0 =	vsel vm5, v1, v0;
	v1 =	vbroadcast v5, $0xF  }
0xbd: {  	s21 =	simm.s32 $0x700;
	v4 =	vand.u32 $0x7FFFFFFF, v4;
	[tilespmem:$0x1FF70] =	vst v17;
	v0 =	vsel vm6, v0, v2  }
0xbe: {  	vm9 =	vle.f32 v4, $1.000000000e+00;
	v15 =	vld [tilespmem:s21+$0x0];
	vm8 =	vgt.f32 v3, $5.000000000e-01;
	v0 =	vsel vm7, v0, v1  }
0xbf: {  	v4 =	vld [tilespmem:s21+$0x90];
	vm8 =	vmand vm8, vm9;
	vm15 =	vge.f32 v0, $8.999999760e-01;
	v0 =	vmul.f32 $1.000000000e+01, v0  }
0xc0: {  	v7 =	vld [tilespmem:s21+$0x80];
	vm8 =	vmand vm15, vm8  }
0xc1: {  	v40 =	vld [tilespmem:s21+$0x110];
	v2 =	vnsel vm8, $0xF149F2CA, v0  }
0xc2: {  	v14 =	vld [tilespmem:s21+$0x100];
	(xrf0) =	vmax.scan.msk.f32 $0xffff, v2  }
0xc3: {  	v16 =	vld [tilespmem:s21+$0x20]  }
0xc4: {  	v17 =	vld [tilespmem:s21+$0xFFFFFFB0]  }
0xc5: {  	v48 =	vld [tilespmem:s21+$0xFFFFFEB0]  }
0xc6: {  	v1 =	vld [tilespmem:s21+$0xB0]  }
0xc7: {  	v3 =	vld [tilespmem:s21+$0xA0]  }
0xc8: {  	v53 =	vld [tilespmem:s21+$0xFFFFFEA0];
	v0, _, _ =	vpop (xrf0)  }
0xc9: {  	v11 =	vld [tilespmem:s21+$0xFFFFFE90];
	(v2sf) =	vpush v0, $0xF  }
0xca: {  	v62 =	vld [tilespmem:s21+$0xFFFFFE20]  }
0xcb: {  	v0 =	vld [tilespmem:s21+$0xFFFFFE30];
	[tilespmem:$0x1FF80] =	vst v1  }
0xcc: {  	[tilespmem:$0x1FF90] =	vst v3  }
0xcd: {  	v5 =	vmul.f32 v3, v41;
	v3 =	vld [tilespmem:s21+$0xFFFFFE10];
	[tilespmem:$0x1FFA0] =	vst v4  }
0xce: {  	[tilespmem:$0x1FFB0] =	vst v7  }
0xcf: {  	v6 =	vmul.f32 v4, v39;
	v1 =	vmul.f32 v1, v42;
	v4 =	vld [tilespmem:s21+$0xFFFFFE00]  }
0xd0: {  	v7 =	vmul.f32 v7, v37;
	v57 =	vld [tilespmem:s21+$0xFFFFFE80]  }
0xd1: {  	v1 =	vadd.f32 v1, v5  }
0xd2: {  	v51 =	vld [tilespmem:s21+$0xFFFFFF30];
	v5 =	vadd.f32 v6, v7;
	v6 =	vmul.f32 v62, v41;
	v7 =	vmul.f32 v0, v42  }
0xd3: {  	v8 =	vmul.f32 v53, v41;
	v9 =	vmul.f32 v48, v42;
	v56 =	vld [tilespmem:s21+$0xFFFFFF20]  }
0xd4: {  	v25 =	vld [tilespmem:s21+$0xFFFFFF10];
	v10 =	vmul.f32 v3, v39;
	v6 =	vadd.f32 v7, v6;
	v7 =	vmul.f32 v4, v37  }
0xd5: {  	v5 =	vadd.f32 v1, v5;
	v1 =	vld [tilespmem:s21+$0xFFFFFF00];
	[tilespmem:$0x1FFC0] =	vst v11;
	v11 =	vmul.f32 v11, v39;
	v12 =	vmul.f32 v57, v37  }
0xd6: {  	v59 =	vld [tilespmem:s21+$0xFFFFFFA0];
	v7 =	vadd.f32 v10, v7  }
0xd7: {  	v8 =	vadd.f32 v9, v8;
	(xrf2) =	vadd.scan.msk.f32 $0xffff, v5;
	v5 =	vld [tilespmem:s21+$0x30];
	v9 =	vadd.f32 v11, v12  }
0xd8: {  	s22 =	simm.f32 $-1.000000020e+30;
	v55 =	vld [tilespmem:s21+$0xFFFFFF90];
	v6 =	vadd.f32 v6, v7;
	s31 =	spop (v2sf)  }
0xd9: {  	v58 =	vld [tilespmem:s21+$0xFFFFFF80];
	v10 =	vmul.f32 v51, v42;
	v7 =	vadd.f32 v8, v9;
	v8 =	vmul.f32 v56, v41;
	s20 =	smax.f32 s22, s31  }
0xda: {  	v61 =	vld [tilespmem:s21+$0x10];
	v9 =	vmul.f32 v25, v39;
	(xrf2) =	vadd.scan.msk.f32 $0xffff, v6;
	v6 =	vmul.f32 v1, v37;
	v13 =	vmov s20  }
0xdb: {  	v52 =	vld [tilespmem:s21+$0x130];
	[tilespmem:$0x1FFD0] =	vst v14;
	v11 =	vmul.f32 v14, v37;
	v2 =	vsub.f32 v2, v13  }
0xdc: {  	v49 =	vld [tilespmem:s21+$0x120];
	v8 =	vadd.f32 v10, v8;
	v10 =	vmul.f32 v5, v42;
	v6 =	vadd.f32 v9, v6  }
0xdd: {  	v50 =	vld [tilespmem:s21+$0x1B0];
	(xrf2) =	vadd.scan.msk.f32 $0xffff, v7;
	v7 =	vmul.f32 v40, v39;
	v2 =	vmul.f32 $1.442695020e+00, v2  }
0xde: {  	v54 =	vld [tilespmem:s21+$0x1A0];
	[tilespmem:$0x1FFE0] =	vst v16;
	v9 =	vmul.f32 v17, v42;
	v6 =	vadd.f32 v8, v6;
	v8 =	vmul.f32 v16, v41  }
0xdf: {  	v60 =	vld [tilespmem:s21+$0x190];
	[tilespmem:$0x1FFF0] =	vst v15;
	(erf) = vpow2.f32 v2;
	v2 =	vadd.f32 v7, v11;
	v7 =	vmul.f32 v59, v41  }
0xe0: {  	v63 =	vld [tilespmem:s21+$0x180];
	v8 =	vadd.f32 v10, v8;
	(xrf2) =	vadd.scan.msk.f32 $0xffff, v6;
	v6 =	vmul.f32 v61, v39;
	v10 =	vmul.f32 v55, v39  }
0xe1: {  	s22 =	ssub.f32 s22, s20;
	v11 =	vmul.f32 v58, v37;
	v7 =	vadd.f32 v9, v7;
	v9 =	vmul.f32 v15, v37  }
0xe2: {  	v14 =	vmul.f32 v49, v41;
	v13 =	vmul.f32 v52, v42  }
0xe3: {  	v12 =	vmov s22;
	v6 =	vadd.f32 v6, v9;
	v9 =	vadd.f32 v10, v11  }
0xe4: {  	v46 =	vimm.f32 $0.0e+00;
	v11 =	vmul.f32 $1.442695020e+00, v12  }
0xe5: {  	v15 =	vmul.f32 v63, v37;
	v10 =	vadd.f32 v13, v14;
	v12 =	vmul.f32 v50, v42  }
0xe6: {  	v47 =	vmov v17;
	v17, _, _ =	vpop (xrf2);
	v13 =	vmul.f32 v54, v41;
	v14 =	vmul.f32 v60, v39  }
0xe7: {  	v7 =	vadd.f32 v7, v9;
	v10 =	vadd.f32 v10, v2;
	v2 =	vbroadcast v11, $0x0;
	v9, _, _ =	vpop (xrf2)  }
0xe8: {  	v12 =	vadd.f32 v12, v13;
	v13 =	vadd.f32 v14, v15;
	v9 =	vbroadcast v9, $0xF;
	v11, _, _ =	vpop (xrf2)  }
0xe9: {  	v6 =	vadd.f32 v8, v6;
	v14 =	vimm.f32 $0.0e+00;
	v11 =	vbroadcast v11, $0xF  }
0xea: {  	(erf) = vpow2.f32 v2;
	v12 =	vadd.f32 v12, v13;
	v2 =	vnsel vm0, $0x0, v9  }
0xeb: {  	s23 =	simm.s32 $0x20;
	(xrf2) =	vadd.scan.msk.f32 $0xffff, v7;
	v7 =	vimm.f32 $0.0e+00;
	v8 =	vpop (erf);
	v11 =	vsel vm1, v2, v11;
	v2 =	vsel vm8, $0x3F800000, v32  }
0xec: {  	s24 =	simm.s32 $0xB00;
	s21 =	smov.u32 s20;
	s22 =	simm.s32 $0x40;
	(xrf2) =	vadd.scan.msk.f32 $0xffff, v6;
	v6 =	vimm.f32 $0.0e+00;
	v13, _, _ =	vpop (xrf2);
	v9 =	vmul.f32 v8, v2;
	v8 =	vimm.f32 $0.0e+00  }
.LBB2_3:
0xed: {  	v2 =	vmov v3;
	_ =	sdelay $0x2  }
0xee: {  	[tilespmem:$0x1FE30] =	vst v2;
	v2 =	vmov v0;
	_ =	sdelay $0x2  }
0xef: {  	[tilespmem:$0x1FDE0] =	vst v2;
	v2 =	vmov v62;
	_ =	sdelay $0x2  }
0xf0: {  	[tilespmem:$0x1FDC0] =	vst v2;
	v2 =	vmov v4  }
0xf1: {  	(xrf2) =	vadd.scan.msk.f32 $0xffff, v10;
	v10 =	vbroadcast v9, $0x0;
	_ =	sdelay $0x1  }
0xf2: {  	v18 =	vmul.f32 v10, v23;
	v23 =	vmul.f32 v10, v22;
	v22 =	vld [tilespmem:$0x1FEF0];
	[tilespmem:$0x1FDD0] =	vst v2;
	v2 =	vmov v53  }
0xf3: {  	v15 =	vld [tilespmem:s24+$0x0]  }
0xf4: {  	v13 =	vbroadcast v13, $0xF;
	v16 =	vld [tilespmem:s24+$0xA0]  }
0xf5: {  	v29 =	vld [tilespmem:s24+$0xB0];
	v31 =	vbroadcast v9, $0x4;
	v3 =	vmul.f32 v10, v21;
	v20 =	vpop (erf);
	[tilespmem:$0x1FE20] =	vst v2;
	v2 =	vmov v57  }
0xf6: {  	v11 =	vsel vm2, v11, v13;
	v13 =	vbroadcast v17, $0xF;
	v0, _, _ =	vpop (xrf2);
	v19 =	vmul.f32 v20, v14  }
0xf7: {  	v0 =	vbroadcast v0, $0xF;
	v53 =	vmul.f32 v31, v22;
	v22 =	vld [tilespmem:$0x1FFF0]  }
0xf8: {  	v14 =	vmul.f32 v10, v28;
	v10 =	vmul.f32 v15, v37;
	[tilespmem:$0x1FDF0] =	vst v2;
	v2 =	vmovc v15;
	v15 =	vmov v5;
	v5 =	vld [tilespmem:$0x1FEA0]  }
0xf9: {  	(xrf2) =	vadd.scan.msk.f32 $0xffff, v12;
	v12 =	vmul.f32 v16, v41;
	v62 =	vbroadcast v9, $0x1;
	v0 =	vsel vm3, v11, v0;
	v11, _, _ =	vpop (xrf2)  }
0xfa: {  	v4 =	vmul.f32 v29, v42;
	[tilespmem:$0x1FEF0] =	vst v15;
	v15 =	vbroadcast v11, $0xF  }
0xfb: {  	s26 =	sshra.s32 s23, $0x2;
	v3 =	vadd.f32 v3, v19;
	v19 =	vbroadcast v9, $0x2;
	v24 =	vmul.f32 v62, v38;
	v38 =	vmovc v1;
	v1 =	vld [tilespmem:$0x1FE90]  }
0xfc: {  	[tilespmem:$0x1FE00] =	vst v40;
	v4 =	vadd.f32 v4, v12;
	v12 =	vld [tilespmem:s26+$0x19100];
	v40 =	vmov v22;
	v22, _, _ =	vpop (xrf2);
	v0 =	vsel vm4, v0, v15  }
0xfd: {  	v15 =	vld [tilespmem:$0x1FF70];
	v0 =	vsel vm5, v0, v13;
	v13 =	vbroadcast v22, $0xF;
	v11 =	vmul.f32 v19, v5;
	v5 =	vmovc v25  }
0xfe: {  	[tilespmem:$0x1FEA0] =	vst v5;
	v5 =	vld [tilespmem:$0x1FEB0]  }
0xff: {  	v0 =	vsel vm6, v0, v13;
	v13 =	vld [tilespmem:$0x1FFB0];
	_ =	sdelay $0x1  }
0x100: {  	v21 =	vld [tilespmem:s26+$0x19480];
	[tilespmem:$0x1FFF0] =	vst v2;
	v2 =	vmov v51;
	_ =	sdelay $0x1  }
0x101: {  	v1 =	vmul.f32 v19, v1;
	v57 =	vmul.f32 v19, v27;
	v27 =	vsub.f32 v15, v12;
	v15, _, _ =	vpop (xrf2)  }
0x102: {  	[tilespmem:$0x1FE10] =	vst v2;
	v2 =	vmovc v61;
	v15 =	vbroadcast v15, $0xF;
	v5 =	vmul.f32 v19, v5;
	v19 =	vmovc v56;
	v12 =	vmov v13;
	v13 =	vld [tilespmem:$0x1FE70]  }
0x103: {  	[tilespmem:$0x1FE90] =	vst v19;
	v19 =	vand.u32 $0x7FFFFFFF, v27  }
0x104: {  	vm8 =	vgt.f32 v21, $5.000000000e-01;
	v0 =	vsel vm7, v0, v15;
	vm9 =	vle.f32 v19, $1.000000000e+00  }
0x105: {  	[tilespmem:$0x1FE40] =	vst v2;
	v2 =	vmovc v48;
	vm15 =	vge.f32 v0, $8.999999760e-01;
	v0 =	vmul.f32 $1.000000000e+01, v0;
	vm8 =	vmand vm8, vm9  }
0x106: {  	v15 =	vld [tilespmem:$0x1FEC0];
	vm8 =	vmand vm15, vm8  }
0x107: {  	v13 =	vmul.f32 v62, v13;
	v27 =	vnsel vm8, $0xF149F2CA, v0;
	v0 =	vld [tilespmem:$0x1FEE0]  }
0x108: {  	[tilespmem:$0x1FE70] =	vst v2;
	v2 =	vmov v55;
	v55 =	vld [tilespmem:$0x1FED0]  }
0x109: {  	v3 =	vadd.f32 v3, v13;
	v13 =	vld [tilespmem:$0x1FF00]  }
0x10a: {  	v25 =	vbroadcast v9, $0x3;
	_ =	sdelay $0x1  }
0x10b: {  	v17 =	vmul.f32 v31, v34;
	v34 =	vmul.f32 v25, v0;
	v0 =	vld [tilespmem:$0x1FF90]  }
0x10c: {  	v61 =	vmul.f32 v25, v15;
	[tilespmem:$0x1FF00] =	vst v2;
	v2 =	vmul.f32 v20, v46  }
0x10d: {  	v3 =	vadd.f32 v3, v57;
	v19 =	vmul.f32 v25, v13;
	v25 =	vmul.f32 v25, v55  }
0x10e: {  	v32 =	vbroadcast v9, $0x5;
	v46 =	vadd.f32 v9, v2;
	v2 =	vld [tilespmem:$0x1FE80]  }
0x10f: {  	v3 =	vadd.f32 v3, v25;
	v25 =	vld [tilespmem:$0x1FFE0]  }
0x110: {  	v21 =	vmul.f32 v32, v26;
	v26 =	vmov v0;
	v0 =	vmov v16;
	v16 =	vld [tilespmem:$0x1FFA0]  }
0x111: {  	[tilespmem:$0x1FF90] =	vst v0;
	v0 =	vld [tilespmem:s24+$0x90]  }
0x112: {  	v8 =	vmul.f32 v20, v8;
	v48 =	vld [tilespmem:s24+$0x80];
	_ =	sdelay $0x1  }
0x113: {  	v8 =	vadd.f32 v18, v8;
	v28 =	vmul.f32 v62, v36  }
0x114: {  	v22 =	vmul.f32 v31, v35;
	(xrf0) =	vmax.scan.msk.f32 $0xffff, v27;
	v31 =	vmul.f32 v31, v2;
	v2 =	vmovc v25;
	v36 =	vmov v16  }
0x115: {  	v18 =	vld [tilespmem:$0x1FE60];
	v16 =	vmovc v58;
	v58 =	vmul.f32 v62, v44;
	v25 =	vmul.f32 v0, v39;
	v62 =	vmovc v0;
	v0 =	vmov v63  }
0x116: {  	v13 =	vld [tilespmem:$0x1FF60];
	[tilespmem:$0x1FF60] =	vst v0;
	v0 =	vmul.f32 v48, v37  }
0x117: {  	v51 =	vld [tilespmem:s24+$0xFFFFFF30]  }
0x118: {  	v25 =	vadd.f32 v25, v0;
	v0 =	vld [tilespmem:$0x1FF20]  }
0x119: {  	v30 =	vmul.f32 v32, v30;
	[tilespmem:$0x1FEB0] =	vst v38;
	v15 =	vmov v59;
	v59 =	vmov v29;
	v29 =	vld [tilespmem:$0x1FFC0]  }
0x11a: {  	v38 =	vmov v33;
	v33 =	vbroadcast v9, $0x7;
	[tilespmem:$0x1FEC0] =	vst v15;
	v15 =	vmul.f32 v32, v45;
	v57 =	vld [tilespmem:$0x1FF80]  }
0x11b: {  	v32 =	vmul.f32 v32, v43;
	v9 =	vbroadcast v9, $0x6;
	v55 =	vld [tilespmem:s24+$0x100];
	v43, _, _ =	vpop (xrf0);
	v3 =	vadd.f32 v3, v53  }
0x11c: {  	(v2sf) =	vpush v43, $0xF;
	v43 =	vld [tilespmem:s24+$0xFFFFFE90]  }
0x11d: {  	v3 =	vadd.f32 v3, v32;
	v4 =	vadd.f32 v4, v25;
	v32 =	vmul.f32 v9, v0;
	v0 =	vld [tilespmem:$0x1FF10]  }
0x11e: {  	v53 =	vld [tilespmem:s24+$0xFFFFFEA0]  }
0x11f: {  	[tilespmem:$0x1FE50] =	vst v22;
	(xrf2) =	vadd.scan.msk.f32 $0xffff, v4;
	v4 =	vld [tilespmem:$0x1FF30]  }
0x120: {  	[tilespmem:$0x1FFB0] =	vst v48;
	v22 =	vmul.f32 v33, v13;
	v13 =	vld [tilespmem:$0x1FF50]  }
0x121: {  	v44 =	vmov v29;
	v29 =	vmov v60;
	[tilespmem:$0x1FEE0] =	vst v16;
	v16 =	vld [tilespmem:s24+$0x110]  }
0x122: {  	v7 =	vmul.f32 v20, v7;
	v45 =	vmov v57;
	[tilespmem:$0x1FF50] =	vst v29;
	v29 =	vld [tilespmem:$0x1FF40];
	v57 =	vmul.f32 v9, v0  }
0x123: {  	v6 =	vmul.f32 v20, v6;
	[tilespmem:$0x1FFA0] =	vst v62;
	v48 =	vld [tilespmem:s24+$0xFFFFFEB0];
	v62 =	vmov v54  }
0x124: {  	v7 =	vadd.f32 v23, v7;
	[tilespmem:$0x1FF40] =	vst v62;
	v62 =	vld [tilespmem:s24+$0xFFFFFE20];
	v23 =	vmul.f32 v33, v4;
	v20 =	vadd.f32 v3, v57  }
0x125: {  	v6 =	vadd.f32 v14, v6;
	v14 =	vmov v50;
	v4 =	vld [tilespmem:s24+$0xFFFFFE00]  }
0x126: {  	[tilespmem:$0x1FF30] =	vst v14;
	v0 =	vmov v49;
	v14 =	vadd.f32 v20, v23;
	v23 =	vld [tilespmem:$0x1FFD0]  }
0x127: {  	v7 =	vadd.f32 v7, v28;
	v6 =	vadd.f32 v6, v24;
	[tilespmem:$0x1FF20] =	vst v0;
	v0 =	vld [tilespmem:s24+$0xFFFFFE30]  }
0x128: {  	v56 =	vmov v47;
	v63 =	vmul.f32 v55, v37;
	v60 =	vmul.f32 v16, v39;
	v3 =	vld [tilespmem:s24+$0xFFFFFE10]  }
0x129: {  	v7 =	vadd.f32 v7, v1;
	[tilespmem:$0x1FED0] =	vst v56;
	v5 =	vadd.f32 v6, v5;
	v57 =	vld [tilespmem:s24+$0xFFFFFE80]  }
0x12a: {  	v56 =	vld [tilespmem:s24+$0xFFFFFF20];
	v1 =	vmovc v55;
	v25 =	vmul.f32 v53, v41;
	v35 =	vadd.f32 v60, v63;
	v60 =	vmul.f32 v48, v42  }
0x12b: {  	v7 =	vadd.f32 v7, v61;
	v13 =	vmul.f32 v33, v13;
	[tilespmem:$0x1FFD0] =	vst v1;
	v1 =	vld [tilespmem:s24+$0xFFFFFF00];
	v20 =	vmov v23  }
0x12c: {  	v24 =	vmul.f32 v0, v42;
	v23 =	vadd.f32 v60, v25;
	v25 =	vld [tilespmem:s24+$0xFFFFFF10];
	[tilespmem:$0x1FE60] =	vst v20;
	v20 =	vmul.f32 v62, v41  }
0x12d: {  	[tilespmem:$0x1FF80] =	vst v59;
	v59 =	vld [tilespmem:s24+$0x20];
	v5 =	vadd.f32 v5, v34;
	v6 =	vmul.f32 v4, v37;
	v28 =	vmul.f32 v3, v39  }
0x12e: {  	[tilespmem:$0x1FE80] =	vst v2;
	v2 =	vld [tilespmem:s24+$0xFFFFFFB0];
	v63 =	vmul.f32 v43, v39;
	v20 =	vadd.f32 v24, v20;
	v24 =	vmul.f32 v57, v37  }
0x12f: {  	v29 =	vmul.f32 v33, v29;
	v33 =	vadd.f32 v5, v17;
	v5 =	vld [tilespmem:s24+$0x30];
	v6 =	vadd.f32 v28, v6  }
0x130: {  	v7 =	vadd.f32 v7, v31;
	v24 =	vadd.f32 v63, v24  }
0x131: {  	v47 =	vmovc v52;
	v31 =	vmul.f32 v25, v39;
	v6 =	vadd.f32 v20, v6;
	v20 =	vmul.f32 v1, v37  }
0x132: {  	[tilespmem:$0x1FFE0] =	vst v59;
	v28 =	vmul.f32 v56, v41;
	v23 =	vadd.f32 v23, v24;
	v24 =	vmul.f32 v51, v42  }
0x133: {  	v8 =	vadd.f32 v8, v58;
	v54 =	vmul.f32 v59, v41;
	v59 =	vld [tilespmem:s24+$0xFFFFFFA0];
	[tilespmem:$0x1FF10] =	vst v47;
	v20 =	vadd.f32 v31, v20  }
0x134: {  	v61 =	vld [tilespmem:s24+$0x10];
	v47 =	vmovc v2;
	v31 =	vmul.f32 v2, v42;
	v2 =	vmul.f32 v5, v42;
	v24 =	vadd.f32 v24, v28  }
0x135: {  	v58 =	vld [tilespmem:s24+$0xFFFFFF80];
	v8 =	vadd.f32 v8, v11  }
0x136: {  	s31 =	spop (v2sf);
	v20 =	vadd.f32 v24, v20;
	v24 =	vadd.f32 v2, v54;
	v2 =	vld [tilespmem:$0x1FE00]  }
0x137: {  	v52 =	vld [tilespmem:s24+$0x130];
	v7 =	vadd.f32 v7, v30;
	s20 =	smax.f32 s20, s31  }
0x138: {  	s25 =	smov.u32 s22;
	v8 =	vadd.f32 v8, v19;
	v30 =	vmul.f32 v59, v41;
	v49 =	vld [tilespmem:s24+$0x120];
	v17, _, _ =	vpop (xrf2);
	(xrf2) =	vadd.scan.msk.f32 $0xffff, v6;
	v6 =	vmov s20  }
0x139: {  	s23 =	smov.u32 s25;
	v18 =	vmul.f32 v9, v18;
	v55 =	vld [tilespmem:s24+$0xFFFFFF90];
	s25 =	ssub.f32 s21, s20;
	v7 =	vadd.f32 v7, v32;
	v6 =	vsub.f32 v27, v6  }
0x13a: {  	v60 =	vld [tilespmem:s24+$0x190];
	v28 =	vmul.f32 v58, v37;
	v27 =	vadd.f32 v31, v30;
	v30 =	vmul.f32 v61, v39;
	(xrf2) =	vadd.scan.msk.f32 $0xffff, v23  }
0x13b: {  	[tilespmem:$0x1FFC0] =	vst v43;
	v31 =	vmov s25;
	v43 =	vmul.f32 $1.442695020e+00, v6;
	v6 =	vadd.f32 v33, v21;
	v33 =	vmovc v2;
	v2 =	vld [tilespmem:$0x1FE50]  }
0x13c: {  	v50 =	vld [tilespmem:s24+$0x1B0];
	v32 =	vimm.f32 $0.0e+00;
	v21 =	vmul.f32 v52, v42;
	v23 =	vmul.f32 $1.442695020e+00, v31  }
0x13d: {  	v7 =	vadd.f32 v7, v29;
	v63 =	vld [tilespmem:s24+$0x180];
	v31 =	vmul.f32 v49, v41;
	(erf) = vpow2.f32 v43;
	(xrf2) =	vadd.scan.msk.f32 $0xffff, v20  }
0x13e: {  	v34 =	vmovc v40;
	v30 =	vadd.f32 v30, v10;
	v54 =	vld [tilespmem:s24+$0x1A0];
	v6 =	vadd.f32 v6, v18;
	v18 =	vmul.f32 v55, v39  }
0x13f: {  	v40 =	vmovc v16;
	v9 =	vmul.f32 v9, v38;
	v16 =	vmul.f32 v60, v39;
	v31 =	vadd.f32 v21, v31  }
0x140: {  	v38 =	vld [tilespmem:$0x1FDF0];
	v23 =	vbroadcast v23, $0x0;
	v10 =	vadd.f32 v18, v28;
	v8 =	vadd.f32 v8, v2  }
0x141: {  	v21 =	vld [tilespmem:$0x1FDE0];
	v19 =	vadd.f32 v24, v30;
	v24 =	vmul.f32 v50, v42;
	v6 =	vadd.f32 v6, v22;
	v43 =	vmovc v45  }
0x142: {  	p1 =	sne.s32 s22, $0x620;
	v22 =	vld [tilespmem:$0x1FDC0];
	v45 =	vmovc v36;
	(erf) = vpow2.f32 v23;
	v30 =	vmovc v26;
	v18 =	vadd.f32 v27, v10;
	v8 =	vadd.f32 v8, v15  }
.Ltmp3:
0x143: {  	v28 =	vld [tilespmem:$0x1FDD0];
	v26 =	vmov v12;
	v12 =	vmul.f32 v54, v41;
	v11, _, _ =	vpop (xrf2);
	v15 =	vmul.f32 v63, v37;
	(pc) =	sbr.rel @p1 .LBB2_3-.Ltmp3, $4  }
0x144: {  	v36 =	vld [tilespmem:$0x1FE20];
	v10 =	vadd.f32 v31, v35;
	v11 =	vbroadcast v11, $0xF;
	v20, _, _ =	vpop (xrf2);
	v8 =	vadd.f32 v8, v9  }
0x145: {  	v23 =	vld [tilespmem:$0x1FE30];
	v12 =	vadd.f32 v24, v12;
	v9 =	vadd.f32 v16, v15;
	v15 =	vbroadcast v20, $0xF  }
0x146: {  	v27 =	vld [tilespmem:$0x1FE10];
	(xrf2) =	vadd.scan.msk.f32 $0xffff, v18;
	v11 =	vnsel vm0, $0x0, v11;
	v18 =	vpop (erf);
	v16 =	vsel vm8, $0x3F800000, v32;
	v8 =	vadd.f32 v8, v13  }
0x147: {  	s22 =	sadd.s32 $0x20, s22;
	s21 =	smov.u32 s20;
	s24 =	sadd.s32 $0x400, s24;
	v35 =	vld [tilespmem:$0x1FE40];
	(xrf2) =	vadd.scan.msk.f32 $0xffff, v19;
	v12 =	vadd.f32 v12, v9;
	v11 =	vsel vm1, v11, v15;
	v13, _, _ =	vpop (xrf2);
	v9 =	vmul.f32 v18, v16  }
.Ltmp4:
0x148: {  	_ = 	snop;
	(pc) =	sbr.rel .LBB2_4-.Ltmp4, $1  }
0x149: {  	_ =	sdelay $0x3  }
.LBB2_6:
0x14a: {  	_ =	sfence.sel $0x180000  }
0x14b: {  	[bflag:$0x0] =	sbarrier.arrive $0xFFFF  }
0x14c: {  	p0 =	sne.s32 s0, $0x0;
	_ =	strace $0x90000047  }
0x14d: {  	s0 =	sadd.s32 @!p0 $0x100000, s2;
	[bflag:$0x2] =	sbarrier.arrive $0xFFFF  }
0x14e: {  	[sflag:s0] =	ssyncadd.tile.s32 @!p0 $0x1;
	_ =	shalt  }
.Lfunc_end2:
_tile_overlayer_lowered:
.L_overlay_start_2:
0x14f: {  	(tag) =	ssettag $0x2  }
0x150: {  	s0 =	rddreg [dreg:$0x0];
	s2 =	stileid.u32  }
0x151: {  	s1 =	rddreg [dreg:$0x1];
	p0 =	sne.s32 s2, $0x0  }
0x152: {  	s3 =	rddreg [dreg:$0x2];
	[bflag:$0x3] =	sbarrier.arrive $0xFFFF;
	s2 =	simm.s32 @!p0 $0x1C07  }
0x153: {  	[timem:s3], [sflag:s2] =	dma.local @!p0 [hbm:s0], s1  }
0x154: {  	s0 =	simm.s32 @!p0 $0x7  }
0x155: {  	_ =	swait.ge @!p0 [sflag:s0], s1  }
0x156: {  	s1 =	ssub.s32 @!p0 $0x0, s1;
	[sflag:s0] =	ssyncset.done @!p0 $0x0  }
0x157: {  	[sflag:s0] =	ssyncadd.s32 @!p0 s1  }
0x158: {  	[bflag:$0x3] =	sbarrier.arrive $0xFFFF  }
0x159: {  	_ =	shalt  }

</sc_bundles>
